<compile_context>
chip_gen: v7x
topology: tpu7x:2x2x1
jax: 0.10.2.dev20260603
libtpu: 0.0.44.dev20260713+nightly
codegen_flags: <defaults>
</compile_context>

<pallas_src>
import functools

import jax
import jax.numpy as jnp
from jax import lax
from jax.experimental import pallas as pl
from jax.experimental.pallas import tpu as pltpu
from jax.experimental.pallas import tpu_sc as plsc




def _select_body(x_ref, w_ref, cluster_ref, gate_ref):
    x = x_ref[...]
    w = w_ref[...]
    logits = lax.dot_general(w, x, (((0,), (1,)), ((), ())),
                             preferred_element_type=jnp.float32)
    m = jnp.max(logits, axis=0)
    cid = jnp.argmax(logits, axis=0).astype(jnp.int32)
    gate = jnp.exp(m) / jnp.sum(jnp.exp(logits), axis=0)
    cluster_ref[0, 0, :] = cid
    gate_ref[0, 0, :] = gate


def _select(x, w_select, row_block, interpret=False):
    n, d = x.shape
    c = w_select.shape[1]
    nb = n // row_block
    cluster3, gate3 = pl.pallas_call(
        _select_body,
        grid=(nb,),
        in_specs=[
            pl.BlockSpec((row_block, d), lambda i: (i, 0)),
            pl.BlockSpec((d, c), lambda i: (0, 0)),
        ],
        out_specs=[
            pl.BlockSpec((1, 1, row_block), lambda i: (i, 0, 0)),
            pl.BlockSpec((1, 1, row_block), lambda i: (i, 0, 0)),
        ],
        out_shape=[
            jax.ShapeDtypeStruct((nb, 1, row_block), jnp.int32),
            jax.ShapeDtypeStruct((nb, 1, row_block), jnp.float32),
        ],
        interpret=interpret,
    )(x, w_select)
    return cluster3, gate3


def _pool_body(num_clusters, x_ref, cid_ref, gate_ref, batch_ref,
               pooled_ref, batchout_ref):
    i = pl.program_id(0)
    nb = pl.num_programs(0)
    x = x_ref[...]
    rb = x.shape[0]
    cid = cid_ref[0, 0, :]
    gate = gate_ref[0, 0, :]
    c_iota16 = lax.broadcasted_iota(jnp.int16, (num_clusters, rb), 0)
    onehot16 = c_iota16 == cid.astype(jnp.int16)[None, :]
    gate_b = gate.astype(jnp.bfloat16)
    a = jnp.where(onehot16, gate_b[None, :],
                  jnp.bfloat16(0.0))
    contrib = lax.dot_general(a, x.astype(jnp.bfloat16),
                              (((1,), (0,)), ((), ())),
                              preferred_element_type=jnp.float32)

    batch = batch_ref[0, 0, :].astype(jnp.bfloat16)[None, :]
    bmax = jnp.max(jnp.where(onehot16, batch, jnp.bfloat16(-1)),
                   axis=1).astype(jnp.int32)

    @pl.when(i == 0)
    def _init():
        pooled_ref[...] = jnp.zeros_like(pooled_ref)
        batchout_ref[...] = jnp.full_like(batchout_ref, -1)

    pooled_ref[...] += contrib
    batchout_ref[...] = jnp.maximum(batchout_ref[...], bmax[None, :])

    @pl.when(i == nb - 1)
    def _finalize():
        acc = batchout_ref[...]
        idx = lax.broadcasted_iota(jnp.int32, acc.shape, 1)
        batchout_ref[...] = jnp.where(acc < 0, idx, acc)


def _pool(x, cluster3, gate3, batch, num_clusters, row_block,
          interpret=False):
    n, d = x.shape
    nb = n // row_block
    batch3 = batch.reshape(nb, 1, row_block)
    vec_spec = pl.BlockSpec((1, 1, row_block), lambda i: (i, 0, 0))
    pooled, batchout = pl.pallas_call(
        functools.partial(_pool_body, num_clusters),
        grid=(nb,),
        in_specs=[
            pl.BlockSpec((row_block, d), lambda i: (i, 0)),
            vec_spec, vec_spec, vec_spec,
        ],
        out_specs=[
            pl.BlockSpec((num_clusters, d), lambda i: (0, 0)),
            pl.BlockSpec((1, num_clusters), lambda i: (0, 0)),
        ],
        out_shape=[
            jax.ShapeDtypeStruct((num_clusters, d), jnp.float32),
            jax.ShapeDtypeStruct((1, num_clusters), jnp.int32),
        ],
        interpret=interpret,
    )(x, cluster3, gate3, batch3)
    return pooled, batchout.reshape(num_clusters)




def _make_remap(n_nodes, e, cluster3_shape):
    info = plsc.get_sparse_core_info()
    nc, ns = info.num_cores, info.num_subcores
    nw = nc * ns
    tiles = e // 128
    tpw = -(-tiles // nw)
    cols = tpw * 128
    mesh = plsc.VectorSubcoreMesh(core_axis_name="c", subcore_axis_name="s")

    nb, rb = cluster3_shape[0], cluster3_shape[2]

    @functools.partial(
        pl.kernel,
        out_type=(jax.ShapeDtypeStruct((2, e), jnp.int32),
                  jax.ShapeDtypeStruct((n_nodes,), jnp.int32)),
        mesh=mesh,
        scratch_types=[
            pltpu.VMEM((n_nodes,), jnp.int32),
            pltpu.VMEM((2, cols), jnp.int32),
            pltpu.VMEM((2, cols), jnp.int32),
        ],
        compiler_params=pltpu.CompilerParams(needs_layout_passes=False),
    )
    def remap(cluster_hbm, edges_hbm, out_hbm, cflat_hbm, table_v, idx_v,
              out_v):
        wid = lax.axis_index("s") * nc + lax.axis_index("c")
        base = jnp.minimum(wid * cols, e - cols)
        for b in range(nb):
            pltpu.sync_copy(cluster_hbm.at[b, 0],
                            table_v.at[pl.ds(b * rb, rb)])
        pltpu.sync_copy(edges_hbm.at[:, pl.ds(base, cols)], idx_v)

        for r in range(2):
            @plsc.parallel_loop(0, cols // 16, unroll=8)
            def _body(j):
                off = j * 16
                v = idx_v[r, pl.ds(off, 16)]
                out_v[r, pl.ds(off, 16)] = plsc.load_gather(table_v, [v])

        pltpu.sync_copy(out_v, out_hbm.at[:, pl.ds(base, cols)])
        @pl.when(wid == 0)
        def _():
            pltpu.sync_copy(table_v, cflat_hbm)

    return remap




def kernel(x, edge_index, edge_attr, batch, W_select):
    n, _ = x.shape
    c = W_select.shape[1]
    e = edge_index.shape[1]
    cluster3, gate3 = _select(x, W_select, row_block=1000)
    new_edge_index, cluster = _make_remap(n, e, cluster3.shape)(
        cluster3, edge_index)
    x_pooled, batch_out = _pool(x, cluster3, gate3, batch, c, row_block=1000)
    return (x_pooled, new_edge_index, cluster, edge_attr, batch_out)

# --- scband reference (transcript-rebuilt; emitter-appended) ---
"""Pipeline reference for scband-pooling-54296976556741 (READ-ONLY COPY).

The authoritative reference and input builder live on the scoring server;
editing this copy changes nothing except your own understanding.
"""

import jax, jax.numpy as jnp
import numpy as np

N = 10000
E = 320000
D = 128
DE = 16
C = 2000
B = 8


def setup_inputs(seed: int = 0) -> dict:
    key = jax.random.key(seed)
    k1, k2, k3, k4, k5 = jax.random.split(key, 5)
    x = jax.random.normal(k1, (N, D), dtype=jnp.float32)
    edge_index = jax.random.randint(k2, (2, E), 0, N, dtype=jnp.int32)
    edge_attr = jax.random.normal(k3, (E, DE), dtype=jnp.float32)
    batch = jnp.sort(jax.random.randint(k4, (N,), 0, B, dtype=jnp.int32))
    # Learned Select parameter: maps node features to cluster logits
    W_select = jax.random.normal(k5, (D, C), dtype=jnp.float32) * 0.05
    return {"x": x, "edge_index": edge_index, "edge_attr": edge_attr, "batch": batch, "W_select": W_select}


def reference(x, edge_index, edge_attr, batch, W_select):
    num_clusters = W_select.shape[1]
    # --- Select: learned hard assignment of nodes to supernodes ---
    logits = x @ W_select                      # [N, C]
    cluster = jnp.argmax(logits, axis=-1)      # [N], no dropped nodes (>= 0)
    gate = jnp.max(jax.nn.softmax(logits, axis=-1), axis=-1)  # [N] soft gate for differentiability
    # dropped-nodes mask (cluster == -1); empty here since argmax >= 0
    dropped = cluster < 0
    keep = jnp.logical_not(dropped)
    # --- Reduce: sum-aggregate node features into supernodes (scatter-add) ---
    x_gated = x * gate[:, None]
    x_pooled = jax.ops.segment_sum(jnp.where(keep[:, None], x_gated, 0.0), jnp.where(keep, cluster, 0), num_segments=num_clusters)
    # --- Connect: remap edge endpoints through the cluster assignment (gather) ---
    new_edge_index = cluster[edge_index]       # [2, E]
    new_edge_attr = edge_attr                  # carried through unchanged
    # --- Pooled batch vector: scatter-overwrite, matching torch scatter_ ---
    batch_out = jnp.arange(num_clusters, dtype=batch.dtype).at[cluster].set(batch)
    return (x_pooled, new_edge_index, cluster, new_edge_attr, batch_out)

if __name__ == "__main__":
    import jax
    _d = setup_inputs()
    print(jax.jit(kernel)(*tuple(_d.values())))

</pallas_src>

<mosaic_0001>
#map = affine_map<(d0, d1) -> (0, 0, 0)>
#map1 = affine_map<(d0, d1) -> (0, 0)>
#map2 = affine_map<(d0, d1) -> (0)>
module attributes {stable_mosaic.version = 14 : i64} {
  func.func @remap(%arg0: i32, %arg1: i32, %arg2: memref<10x1x1000xi32, #tpu.memory_space<hbm>>, %arg3: memref<2x320000xi32, #tpu.memory_space<hbm>>, %arg4: memref<2x320000xi32, #tpu.memory_space<hbm>>, %arg5: memref<10000xi32, #tpu.memory_space<hbm>>, %arg6: memref<10000xi32, #tpu.memory_space<vmem>>, %arg7: memref<2x10112xi32, #tpu.memory_space<vmem>>, %arg8: memref<2x10112xi32, #tpu.memory_space<vmem>>) attributes {dimension_semantics = [#tpu.dimension_semantics<core_parallel>, #tpu.dimension_semantics<subcore_parallel>], iteration_bounds = array<i64: 2, 16>, scalar_prefetch = 0 : i64, scratch_operands = 3 : i64, tpu.core_type = #tpu.core_type<sc_vector_subcore>, window_params = [{transform_indices = #map}, {transform_indices = #map1}, {transform_indices = #map1}, {transform_indices = #map2}]} {
    %mul3A = arith.constant 2 : i32
    %mul3A_0 = arith.muli %arg1, %mul3A : i32
    %add3A = arith.addi %mul3A_0, %arg0 : i32
    %mul3A_1 = arith.constant 10112 : i32
    %mul3A_2 = arith.muli %add3A, %mul3A_1 : i32
    %min3A = arith.constant 309888 : i32
    %min3A_3 = arith.minsi %mul3A_2, %min3A : i32
    %run_scoped3A = arith.constant 0 : i32
    %run_scoped3A_4 = arith.constant 0 : i32
    "tpu.region"() ({
      %run_scoped3A_30 = tpu.sem_alloc : memref<!tpu.dma_semaphore, #tpu.memory_space<semaphore_mem>>
      %dma_start3A = arith.constant 0 : i32
      %dma_start3A_31 = tpu.memref_slice %arg6[%dma_start3A] : memref<10000xi32, #tpu.memory_space<vmem>> -> memref<1000xi32, #tpu.memory_space<vmem>>
      %dma_start3A_32 = arith.constant 0 : i32
      %dma_start3A_33 = tpu.memref_slice %arg2[%run_scoped3A, %run_scoped3A_4, %dma_start3A_32] : memref<10x1x1000xi32, #tpu.memory_space<hbm>> -> memref<1x1x1000xi32, #tpu.memory_space<hbm>>
      %dma_start3A_34 = tpu.memref_squeeze %dma_start3A_33 : memref<1x1x1000xi32, #tpu.memory_space<hbm>> -> memref<1000xi32, #tpu.memory_space<hbm>>
      %dma_start3A_35 = arith.constant 0 : i32
      %dma_start3A_36 = tpu.memref_slice %arg6[%dma_start3A_35] : memref<10000xi32, #tpu.memory_space<vmem>> -> memref<1000xi32, #tpu.memory_space<vmem>>
      %dma_start3A_37 = arith.constant 0 : i32
      %dma_start3A_38 = tpu.memref_slice %arg2[%run_scoped3A, %run_scoped3A_4, %dma_start3A_37] : memref<10x1x1000xi32, #tpu.memory_space<hbm>> -> memref<1x1x1000xi32, #tpu.memory_space<hbm>>
      %dma_start3A_39 = tpu.memref_squeeze %dma_start3A_38 : memref<1x1x1000xi32, #tpu.memory_space<hbm>> -> memref<1000xi32, #tpu.memory_space<hbm>>
      tpu.enqueue_dma source(%dma_start3A_39 : memref<1000xi32, #tpu.memory_space<hbm>>) target(%dma_start3A_36 : memref<1000xi32, #tpu.memory_space<vmem>>) target_semaphore(%run_scoped3A_30 : memref<!tpu.dma_semaphore, #tpu.memory_space<semaphore_mem>>)
      %dma_wait3A = arith.constant 0 : i32
      %dma_wait3A_40 = tpu.memref_slice %arg6[%dma_wait3A] : memref<10000xi32, #tpu.memory_space<vmem>> -> memref<1000xi32, #tpu.memory_space<vmem>>
      %dma_wait3A_41 = arith.constant 0 : i32
      %dma_wait3A_42 = tpu.memref_slice %arg2[%run_scoped3A, %run_scoped3A_4, %dma_wait3A_41] : memref<10x1x1000xi32, #tpu.memory_space<hbm>> -> memref<1x1x1000xi32, #tpu.memory_space<hbm>>
      %dma_wait3A_43 = tpu.memref_squeeze %dma_wait3A_42 : memref<1x1x1000xi32, #tpu.memory_space<hbm>> -> memref<1000xi32, #tpu.memory_space<hbm>>
      %dma_wait3A_44 = arith.constant 0 : i32
      %dma_wait3A_45 = tpu.memref_slice %arg6[%dma_wait3A_44] : memref<10000xi32, #tpu.memory_space<vmem>> -> memref<1000xi32, #tpu.memory_space<vmem>>
      %dma_wait3A_46 = arith.constant 0 : i32
      %dma_wait3A_47 = tpu.memref_slice %arg2[%run_scoped3A, %run_scoped3A_4, %dma_wait3A_46] : memref<10x1x1000xi32, #tpu.memory_space<hbm>> -> memref<1x1x1000xi32, #tpu.memory_space<hbm>>
      %dma_wait3A_48 = tpu.memref_squeeze %dma_wait3A_47 : memref<1x1x1000xi32, #tpu.memory_space<hbm>> -> memref<1000xi32, #tpu.memory_space<hbm>>
      tpu.wait_dma2 semaphore(%run_scoped3A_30 : memref<!tpu.dma_semaphore, #tpu.memory_space<semaphore_mem>>) src(%dma_wait3A_48 : memref<1000xi32, #tpu.memory_space<hbm>>) dst(%dma_wait3A_45 : memref<1000xi32, #tpu.memory_space<vmem>>)
      tpu.yield
    }) : () -> ()
    %run_scoped3A_5 = arith.constant 1 : i32
    %run_scoped3A_6 = arith.constant 0 : i32
    "tpu.region"() ({
      %run_scoped3A_30 = tpu.sem_alloc : memref<!tpu.dma_semaphore, #tpu.memory_space<semaphore_mem>>
      %dma_start3A = arith.constant 1000 : i32
      %dma_start3A_31 = tpu.memref_slice %arg6[%dma_start3A] : memref<10000xi32, #tpu.memory_space<vmem>> -> memref<1000xi32, #tpu.memory_space<vmem>>
      %dma_start3A_32 = arith.constant 0 : i32
      %dma_start3A_33 = tpu.memref_slice %arg2[%run_scoped3A_5, %run_scoped3A_6, %dma_start3A_32] : memref<10x1x1000xi32, #tpu.memory_space<hbm>> -> memref<1x1x1000xi32, #tpu.memory_space<hbm>>
      %dma_start3A_34 = tpu.memref_squeeze %dma_start3A_33 : memref<1x1x1000xi32, #tpu.memory_space<hbm>> -> memref<1000xi32, #tpu.memory_space<hbm>>
      %dma_start3A_35 = arith.constant 1000 : i32
      %dma_start3A_36 = tpu.memref_slice %arg6[%dma_start3A_35] : memref<10000xi32, #tpu.memory_space<vmem>> -> memref<1000xi32, #tpu.memory_space<vmem>>
      %dma_start3A_37 = arith.constant 0 : i32
      %dma_start3A_38 = tpu.memref_slice %arg2[%run_scoped3A_5, %run_scoped3A_6, %dma_start3A_37] : memref<10x1x1000xi32, #tpu.memory_space<hbm>> -> memref<1x1x1000xi32, #tpu.memory_space<hbm>>
      %dma_start3A_39 = tpu.memref_squeeze %dma_start3A_38 : memref<1x1x1000xi32, #tpu.memory_space<hbm>> -> memref<1000xi32, #tpu.memory_space<hbm>>
      tpu.enqueue_dma source(%dma_start3A_39 : memref<1000xi32, #tpu.memory_space<hbm>>) target(%dma_start3A_36 : memref<1000xi32, #tpu.memory_space<vmem>>) target_semaphore(%run_scoped3A_30 : memref<!tpu.dma_semaphore, #tpu.memory_space<semaphore_mem>>)
      %dma_wait3A = arith.constant 1000 : i32
      %dma_wait3A_40 = tpu.memref_slice %arg6[%dma_wait3A] : memref<10000xi32, #tpu.memory_space<vmem>> -> memref<1000xi32, #tpu.memory_space<vmem>>
      %dma_wait3A_41 = arith.constant 0 : i32
      %dma_wait3A_42 = tpu.memref_slice %arg2[%run_scoped3A_5, %run_scoped3A_6, %dma_wait3A_41] : memref<10x1x1000xi32, #tpu.memory_space<hbm>> -> memref<1x1x1000xi32, #tpu.memory_space<hbm>>
      %dma_wait3A_43 = tpu.memref_squeeze %dma_wait3A_42 : memref<1x1x1000xi32, #tpu.memory_space<hbm>> -> memref<1000xi32, #tpu.memory_space<hbm>>
      %dma_wait3A_44 = arith.constant 1000 : i32
      %dma_wait3A_45 = tpu.memref_slice %arg6[%dma_wait3A_44] : memref<10000xi32, #tpu.memory_space<vmem>> -> memref<1000xi32, #tpu.memory_space<vmem>>
      %dma_wait3A_46 = arith.constant 0 : i32
      %dma_wait3A_47 = tpu.memref_slice %arg2[%run_scoped3A_5, %run_scoped3A_6, %dma_wait3A_46] : memref<10x1x1000xi32, #tpu.memory_space<hbm>> -> memref<1x1x1000xi32, #tpu.memory_space<hbm>>
      %dma_wait3A_48 = tpu.memref_squeeze %dma_wait3A_47 : memref<1x1x1000xi32, #tpu.memory_space<hbm>> -> memref<1000xi32, #tpu.memory_space<hbm>>
      tpu.wait_dma2 semaphore(%run_scoped3A_30 : memref<!tpu.dma_semaphore, #tpu.memory_space<semaphore_mem>>) src(%dma_wait3A_48 : memref<1000xi32, #tpu.memory_space<hbm>>) dst(%dma_wait3A_45 : memref<1000xi32, #tpu.memory_space<vmem>>)
      tpu.yield
    }) : () -> ()
    %run_scoped3A_7 = arith.constant 2 : i32
    %run_scoped3A_8 = arith.constant 0 : i32
    "tpu.region"() ({
      %run_scoped3A_30 = tpu.sem_alloc : memref<!tpu.dma_semaphore, #tpu.memory_space<semaphore_mem>>
      %dma_start3A = arith.constant 2000 : i32
      %dma_start3A_31 = tpu.memref_slice %arg6[%dma_start3A] : memref<10000xi32, #tpu.memory_space<vmem>> -> memref<1000xi32, #tpu.memory_space<vmem>>
      %dma_start3A_32 = arith.constant 0 : i32
      %dma_start3A_33 = tpu.memref_slice %arg2[%run_scoped3A_7, %run_scoped3A_8, %dma_start3A_32] : memref<10x1x1000xi32, #tpu.memory_space<hbm>> -> memref<1x1x1000xi32, #tpu.memory_space<hbm>>
      %dma_start3A_34 = tpu.memref_squeeze %dma_start3A_33 : memref<1x1x1000xi32, #tpu.memory_space<hbm>> -> memref<1000xi32, #tpu.memory_space<hbm>>
      %dma_start3A_35 = arith.constant 2000 : i32
      %dma_start3A_36 = tpu.memref_slice %arg6[%dma_start3A_35] : memref<10000xi32, #tpu.memory_space<vmem>> -> memref<1000xi32, #tpu.memory_space<vmem>>
      %dma_start3A_37 = arith.constant 0 : i32
      %dma_start3A_38 = tpu.memref_slice %arg2[%run_scoped3A_7, %run_scoped3A_8, %dma_start3A_37] : memref<10x1x1000xi32, #tpu.memory_space<hbm>> -> memref<1x1x1000xi32, #tpu.memory_space<hbm>>
      %dma_start3A_39 = tpu.memref_squeeze %dma_start3A_38 : memref<1x1x1000xi32, #tpu.memory_space<hbm>> -> memref<1000xi32, #tpu.memory_space<hbm>>
      tpu.enqueue_dma source(%dma_start3A_39 : memref<1000xi32, #tpu.memory_space<hbm>>) target(%dma_start3A_36 : memref<1000xi32, #tpu.memory_space<vmem>>) target_semaphore(%run_scoped3A_30 : memref<!tpu.dma_semaphore, #tpu.memory_space<semaphore_mem>>)
      %dma_wait3A = arith.constant 2000 : i32
      %dma_wait3A_40 = tpu.memref_slice %arg6[%dma_wait3A] : memref<10000xi32, #tpu.memory_space<vmem>> -> memref<1000xi32, #tpu.memory_space<vmem>>
      %dma_wait3A_41 = arith.constant 0 : i32
      %dma_wait3A_42 = tpu.memref_slice %arg2[%run_scoped3A_7, %run_scoped3A_8, %dma_wait3A_41] : memref<10x1x1000xi32, #tpu.memory_space<hbm>> -> memref<1x1x1000xi32, #tpu.memory_space<hbm>>
      %dma_wait3A_43 = tpu.memref_squeeze %dma_wait3A_42 : memref<1x1x1000xi32, #tpu.memory_space<hbm>> -> memref<1000xi32, #tpu.memory_space<hbm>>
      %dma_wait3A_44 = arith.constant 2000 : i32
      %dma_wait3A_45 = tpu.memref_slice %arg6[%dma_wait3A_44] : memref<10000xi32, #tpu.memory_space<vmem>> -> memref<1000xi32, #tpu.memory_space<vmem>>
      %dma_wait3A_46 = arith.constant 0 : i32
      %dma_wait3A_47 = tpu.memref_slice %arg2[%run_scoped3A_7, %run_scoped3A_8, %dma_wait3A_46] : memref<10x1x1000xi32, #tpu.memory_space<hbm>> -> memref<1x1x1000xi32, #tpu.memory_space<hbm>>
      %dma_wait3A_48 = tpu.memref_squeeze %dma_wait3A_47 : memref<1x1x1000xi32, #tpu.memory_space<hbm>> -> memref<1000xi32, #tpu.memory_space<hbm>>
      tpu.wait_dma2 semaphore(%run_scoped3A_30 : memref<!tpu.dma_semaphore, #tpu.memory_space<semaphore_mem>>) src(%dma_wait3A_48 : memref<1000xi32, #tpu.memory_space<hbm>>) dst(%dma_wait3A_45 : memref<1000xi32, #tpu.memory_space<vmem>>)
      tpu.yield
    }) : () -> ()
    %run_scoped3A_9 = arith.constant 3 : i32
    %run_scoped3A_10 = arith.constant 0 : i32
    "tpu.region"() ({
      %run_scoped3A_30 = tpu.sem_alloc : memref<!tpu.dma_semaphore, #tpu.memory_space<semaphore_mem>>
      %dma_start3A = arith.constant 3000 : i32
      %dma_start3A_31 = tpu.memref_slice %arg6[%dma_start3A] : memref<10000xi32, #tpu.memory_space<vmem>> -> memref<1000xi32, #tpu.memory_space<vmem>>
      %dma_start3A_32 = arith.constant 0 : i32
      %dma_start3A_33 = tpu.memref_slice %arg2[%run_scoped3A_9, %run_scoped3A_10, %dma_start3A_32] : memref<10x1x1000xi32, #tpu.memory_space<hbm>> -> memref<1x1x1000xi32, #tpu.memory_space<hbm>>
      %dma_start3A_34 = tpu.memref_squeeze %dma_start3A_33 : memref<1x1x1000xi32, #tpu.memory_space<hbm>> -> memref<1000xi32, #tpu.memory_space<hbm>>
      %dma_start3A_35 = arith.constant 3000 : i32
      %dma_start3A_36 = tpu.memref_slice %arg6[%dma_start3A_35] : memref<10000xi32, #tpu.memory_space<vmem>> -> memref<1000xi32, #tpu.memory_space<vmem>>
      %dma_start3A_37 = arith.constant 0 : i32
      %dma_start3A_38 = tpu.memref_slice %arg2[%run_scoped3A_9, %run_scoped3A_10, %dma_start3A_37] : memref<10x1x1000xi32, #tpu.memory_space<hbm>> -> memref<1x1x1000xi32, #tpu.memory_space<hbm>>
      %dma_start3A_39 = tpu.memref_squeeze %dma_start3A_38 : memref<1x1x1000xi32, #tpu.memory_space<hbm>> -> memref<1000xi32, #tpu.memory_space<hbm>>
      tpu.enqueue_dma source(%dma_start3A_39 : memref<1000xi32, #tpu.memory_space<hbm>>) target(%dma_start3A_36 : memref<1000xi32, #tpu.memory_space<vmem>>) target_semaphore(%run_scoped3A_30 : memref<!tpu.dma_semaphore, #tpu.memory_space<semaphore_mem>>)
      %dma_wait3A = arith.constant 3000 : i32
      %dma_wait3A_40 = tpu.memref_slice %arg6[%dma_wait3A] : memref<10000xi32, #tpu.memory_space<vmem>> -> memref<1000xi32, #tpu.memory_space<vmem>>
      %dma_wait3A_41 = arith.constant 0 : i32
      %dma_wait3A_42 = tpu.memref_slice %arg2[%run_scoped3A_9, %run_scoped3A_10, %dma_wait3A_41] : memref<10x1x1000xi32, #tpu.memory_space<hbm>> -> memref<1x1x1000xi32, #tpu.memory_space<hbm>>
      %dma_wait3A_43 = tpu.memref_squeeze %dma_wait3A_42 : memref<1x1x1000xi32, #tpu.memory_space<hbm>> -> memref<1000xi32, #tpu.memory_space<hbm>>
      %dma_wait3A_44 = arith.constant 3000 : i32
      %dma_wait3A_45 = tpu.memref_slice %arg6[%dma_wait3A_44] : memref<10000xi32, #tpu.memory_space<vmem>> -> memref<1000xi32, #tpu.memory_space<vmem>>
      %dma_wait3A_46 = arith.constant 0 : i32
      %dma_wait3A_47 = tpu.memref_slice %arg2[%run_scoped3A_9, %run_scoped3A_10, %dma_wait3A_46] : memref<10x1x1000xi32, #tpu.memory_space<hbm>> -> memref<1x1x1000xi32, #tpu.memory_space<hbm>>
      %dma_wait3A_48 = tpu.memref_squeeze %dma_wait3A_47 : memref<1x1x1000xi32, #tpu.memory_space<hbm>> -> memref<1000xi32, #tpu.memory_space<hbm>>
      tpu.wait_dma2 semaphore(%run_scoped3A_30 : memref<!tpu.dma_semaphore, #tpu.memory_space<semaphore_mem>>) src(%dma_wait3A_48 : memref<1000xi32, #tpu.memory_space<hbm>>) dst(%dma_wait3A_45 : memref<1000xi32, #tpu.memory_space<vmem>>)
      tpu.yield
    }) : () -> ()
    %run_scoped3A_11 = arith.constant 4 : i32
    %run_scoped3A_12 = arith.constant 0 : i32
    "tpu.region"() ({
      %run_scoped3A_30 = tpu.sem_alloc : memref<!tpu.dma_semaphore, #tpu.memory_space<semaphore_mem>>
      %dma_start3A = arith.constant 4000 : i32
      %dma_start3A_31 = tpu.memref_slice %arg6[%dma_start3A] : memref<10000xi32, #tpu.memory_space<vmem>> -> memref<1000xi32, #tpu.memory_space<vmem>>
      %dma_start3A_32 = arith.constant 0 : i32
      %dma_start3A_33 = tpu.memref_slice %arg2[%run_scoped3A_11, %run_scoped3A_12, %dma_start3A_32] : memref<10x1x1000xi32, #tpu.memory_space<hbm>> -> memref<1x1x1000xi32, #tpu.memory_space<hbm>>
      %dma_start3A_34 = tpu.memref_squeeze %dma_start3A_33 : memref<1x1x1000xi32, #tpu.memory_space<hbm>> -> memref<1000xi32, #tpu.memory_space<hbm>>
      %dma_start3A_35 = arith.constant 4000 : i32
      %dma_start3A_36 = tpu.memref_slice %arg6[%dma_start3A_35] : memref<10000xi32, #tpu.memory_space<vmem>> -> memref<1000xi32, #tpu.memory_space<vmem>>
      %dma_start3A_37 = arith.constant 0 : i32
      %dma_start3A_38 = tpu.memref_slice %arg2[%run_scoped3A_11, %run_scoped3A_12, %dma_start3A_37] : memref<10x1x1000xi32, #tpu.memory_space<hbm>> -> memref<1x1x1000xi32, #tpu.memory_space<hbm>>
      %dma_start3A_39 = tpu.memref_squeeze %dma_start3A_38 : memref<1x1x1000xi32, #tpu.memory_space<hbm>> -> memref<1000xi32, #tpu.memory_space<hbm>>
      tpu.enqueue_dma source(%dma_start3A_39 : memref<1000xi32, #tpu.memory_space<hbm>>) target(%dma_start3A_36 : memref<1000xi32, #tpu.memory_space<vmem>>) target_semaphore(%run_scoped3A_30 : memref<!tpu.dma_semaphore, #tpu.memory_space<semaphore_mem>>)
      %dma_wait3A = arith.constant 4000 : i32
      %dma_wait3A_40 = tpu.memref_slice %arg6[%dma_wait3A] : memref<10000xi32, #tpu.memory_space<vmem>> -> memref<1000xi32, #tpu.memory_space<vmem>>
      %dma_wait3A_41 = arith.constant 0 : i32
      %dma_wait3A_42 = tpu.memref_slice %arg2[%run_scoped3A_11, %run_scoped3A_12, %dma_wait3A_41] : memref<10x1x1000xi32, #tpu.memory_space<hbm>> -> memref<1x1x1000xi32, #tpu.memory_space<hbm>>
      %dma_wait3A_43 = tpu.memref_squeeze %dma_wait3A_42 : memref<1x1x1000xi32, #tpu.memory_space<hbm>> -> memref<1000xi32, #tpu.memory_space<hbm>>
      %dma_wait3A_44 = arith.constant 4000 : i32
      %dma_wait3A_45 = tpu.memref_slice %arg6[%dma_wait3A_44] : memref<10000xi32, #tpu.memory_space<vmem>> -> memref<1000xi32, #tpu.memory_space<vmem>>
      %dma_wait3A_46 = arith.constant 0 : i32
      %dma_wait3A_47 = tpu.memref_slice %arg2[%run_scoped3A_11, %run_scoped3A_12, %dma_wait3A_46] : memref<10x1x1000xi32, #tpu.memory_space<hbm>> -> memref<1x1x1000xi32, #tpu.memory_space<hbm>>
      %dma_wait3A_48 = tpu.memref_squeeze %dma_wait3A_47 : memref<1x1x1000xi32, #tpu.memory_space<hbm>> -> memref<1000xi32, #tpu.memory_space<hbm>>
      tpu.wait_dma2 semaphore(%run_scoped3A_30 : memref<!tpu.dma_semaphore, #tpu.memory_space<semaphore_mem>>) src(%dma_wait3A_48 : memref<1000xi32, #tpu.memory_space<hbm>>) dst(%dma_wait3A_45 : memref<1000xi32, #tpu.memory_space<vmem>>)
      tpu.yield
    }) : () -> ()
    %run_scoped3A_13 = arith.constant 5 : i32
    %run_scoped3A_14 = arith.constant 0 : i32
    "tpu.region"() ({
      %run_scoped3A_30 = tpu.sem_alloc : memref<!tpu.dma_semaphore, #tpu.memory_space<semaphore_mem>>
      %dma_start3A = arith.constant 5000 : i32
      %dma_start3A_31 = tpu.memref_slice %arg6[%dma_start3A] : memref<10000xi32, #tpu.memory_space<vmem>> -> memref<1000xi32, #tpu.memory_space<vmem>>
      %dma_start3A_32 = arith.constant 0 : i32
      %dma_start3A_33 = tpu.memref_slice %arg2[%run_scoped3A_13, %run_scoped3A_14, %dma_start3A_32] : memref<10x1x1000xi32, #tpu.memory_space<hbm>> -> memref<1x1x1000xi32, #tpu.memory_space<hbm>>
      %dma_start3A_34 = tpu.memref_squeeze %dma_start3A_33 : memref<1x1x1000xi32, #tpu.memory_space<hbm>> -> memref<1000xi32, #tpu.memory_space<hbm>>
      %dma_start3A_35 = arith.constant 5000 : i32
      %dma_start3A_36 = tpu.memref_slice %arg6[%dma_start3A_35] : memref<10000xi32, #tpu.memory_space<vmem>> -> memref<1000xi32, #tpu.memory_space<vmem>>
      %dma_start3A_37 = arith.constant 0 : i32
      %dma_start3A_38 = tpu.memref_slice %arg2[%run_scoped3A_13, %run_scoped3A_14, %dma_start3A_37] : memref<10x1x1000xi32, #tpu.memory_space<hbm>> -> memref<1x1x1000xi32, #tpu.memory_space<hbm>>
      %dma_start3A_39 = tpu.memref_squeeze %dma_start3A_38 : memref<1x1x1000xi32, #tpu.memory_space<hbm>> -> memref<1000xi32, #tpu.memory_space<hbm>>
      tpu.enqueue_dma source(%dma_start3A_39 : memref<1000xi32, #tpu.memory_space<hbm>>) target(%dma_start3A_36 : memref<1000xi32, #tpu.memory_space<vmem>>) target_semaphore(%run_scoped3A_30 : memref<!tpu.dma_semaphore, #tpu.memory_space<semaphore_mem>>)
      %dma_wait3A = arith.constant 5000 : i32
      %dma_wait3A_40 = tpu.memref_slice %arg6[%dma_wait3A] : memref<10000xi32, #tpu.memory_space<vmem>> -> memref<1000xi32, #tpu.memory_space<vmem>>
      %dma_wait3A_41 = arith.constant 0 : i32
      %dma_wait3A_42 = tpu.memref_slice %arg2[%run_scoped3A_13, %run_scoped3A_14, %dma_wait3A_41] : memref<10x1x1000xi32, #tpu.memory_space<hbm>> -> memref<1x1x1000xi32, #tpu.memory_space<hbm>>
      %dma_wait3A_43 = tpu.memref_squeeze %dma_wait3A_42 : memref<1x1x1000xi32, #tpu.memory_space<hbm>> -> memref<1000xi32, #tpu.memory_space<hbm>>
      %dma_wait3A_44 = arith.constant 5000 : i32
      %dma_wait3A_45 = tpu.memref_slice %arg6[%dma_wait3A_44] : memref<10000xi32, #tpu.memory_space<vmem>> -> memref<1000xi32, #tpu.memory_space<vmem>>
      %dma_wait3A_46 = arith.constant 0 : i32
      %dma_wait3A_47 = tpu.memref_slice %arg2[%run_scoped3A_13, %run_scoped3A_14, %dma_wait3A_46] : memref<10x1x1000xi32, #tpu.memory_space<hbm>> -> memref<1x1x1000xi32, #tpu.memory_space<hbm>>
      %dma_wait3A_48 = tpu.memref_squeeze %dma_wait3A_47 : memref<1x1x1000xi32, #tpu.memory_space<hbm>> -> memref<1000xi32, #tpu.memory_space<hbm>>
      tpu.wait_dma2 semaphore(%run_scoped3A_30 : memref<!tpu.dma_semaphore, #tpu.memory_space<semaphore_mem>>) src(%dma_wait3A_48 : memref<1000xi32, #tpu.memory_space<hbm>>) dst(%dma_wait3A_45 : memref<1000xi32, #tpu.memory_space<vmem>>)
      tpu.yield
    }) : () -> ()
    %run_scoped3A_15 = arith.constant 6 : i32
    %run_scoped3A_16 = arith.constant 0 : i32
    "tpu.region"() ({
      %run_scoped3A_30 = tpu.sem_alloc : memref<!tpu.dma_semaphore, #tpu.memory_space<semaphore_mem>>
      %dma_start3A = arith.constant 6000 : i32
      %dma_start3A_31 = tpu.memref_slice %arg6[%dma_start3A] : memref<10000xi32, #tpu.memory_space<vmem>> -> memref<1000xi32, #tpu.memory_space<vmem>>
      %dma_start3A_32 = arith.constant 0 : i32
      %dma_start3A_33 = tpu.memref_slice %arg2[%run_scoped3A_15, %run_scoped3A_16, %dma_start3A_32] : memref<10x1x1000xi32, #tpu.memory_space<hbm>> -> memref<1x1x1000xi32, #tpu.memory_space<hbm>>
      %dma_start3A_34 = tpu.memref_squeeze %dma_start3A_33 : memref<1x1x1000xi32, #tpu.memory_space<hbm>> -> memref<1000xi32, #tpu.memory_space<hbm>>
      %dma_start3A_35 = arith.constant 6000 : i32
      %dma_start3A_36 = tpu.memref_slice %arg6[%dma_start3A_35] : memref<10000xi32, #tpu.memory_space<vmem>> -> memref<1000xi32, #tpu.memory_space<vmem>>
      %dma_start3A_37 = arith.constant 0 : i32
      %dma_start3A_38 = tpu.memref_slice %arg2[%run_scoped3A_15, %run_scoped3A_16, %dma_start3A_37] : memref<10x1x1000xi32, #tpu.memory_space<hbm>> -> memref<1x1x1000xi32, #tpu.memory_space<hbm>>
      %dma_start3A_39 = tpu.memref_squeeze %dma_start3A_38 : memref<1x1x1000xi32, #tpu.memory_space<hbm>> -> memref<1000xi32, #tpu.memory_space<hbm>>
      tpu.enqueue_dma source(%dma_start3A_39 : memref<1000xi32, #tpu.memory_space<hbm>>) target(%dma_start3A_36 : memref<1000xi32, #tpu.memory_space<vmem>>) target_semaphore(%run_scoped3A_30 : memref<!tpu.dma_semaphore, #tpu.memory_space<semaphore_mem>>)
      %dma_wait3A = arith.constant 6000 : i32
      %dma_wait3A_40 = tpu.memref_slice %arg6[%dma_wait3A] : memref<10000xi32, #tpu.memory_space<vmem>> -> memref<1000xi32, #tpu.memory_space<vmem>>
      %dma_wait3A_41 = arith.constant 0 : i32
      %dma_wait3A_42 = tpu.memref_slice %arg2[%run_scoped3A_15, %run_scoped3A_16, %dma_wait3A_41] : memref<10x1x1000xi32, #tpu.memory_space<hbm>> -> memref<1x1x1000xi32, #tpu.memory_space<hbm>>
      %dma_wait3A_43 = tpu.memref_squeeze %dma_wait3A_42 : memref<1x1x1000xi32, #tpu.memory_space<hbm>> -> memref<1000xi32, #tpu.memory_space<hbm>>
      %dma_wait3A_44 = arith.constant 6000 : i32
      %dma_wait3A_45 = tpu.memref_slice %arg6[%dma_wait3A_44] : memref<10000xi32, #tpu.memory_space<vmem>> -> memref<1000xi32, #tpu.memory_space<vmem>>
      %dma_wait3A_46 = arith.constant 0 : i32
      %dma_wait3A_47 = tpu.memref_slice %arg2[%run_scoped3A_15, %run_scoped3A_16, %dma_wait3A_46] : memref<10x1x1000xi32, #tpu.memory_space<hbm>> -> memref<1x1x1000xi32, #tpu.memory_space<hbm>>
      %dma_wait3A_48 = tpu.memref_squeeze %dma_wait3A_47 : memref<1x1x1000xi32, #tpu.memory_space<hbm>> -> memref<1000xi32, #tpu.memory_space<hbm>>
      tpu.wait_dma2 semaphore(%run_scoped3A_30 : memref<!tpu.dma_semaphore, #tpu.memory_space<semaphore_mem>>) src(%dma_wait3A_48 : memref<1000xi32, #tpu.memory_space<hbm>>) dst(%dma_wait3A_45 : memref<1000xi32, #tpu.memory_space<vmem>>)
      tpu.yield
    }) : () -> ()
    %run_scoped3A_17 = arith.constant 7 : i32
    %run_scoped3A_18 = arith.constant 0 : i32
    "tpu.region"() ({
      %run_scoped3A_30 = tpu.sem_alloc : memref<!tpu.dma_semaphore, #tpu.memory_space<semaphore_mem>>
      %dma_start3A = arith.constant 7000 : i32
      %dma_start3A_31 = tpu.memref_slice %arg6[%dma_start3A] : memref<10000xi32, #tpu.memory_space<vmem>> -> memref<1000xi32, #tpu.memory_space<vmem>>
      %dma_start3A_32 = arith.constant 0 : i32
      %dma_start3A_33 = tpu.memref_slice %arg2[%run_scoped3A_17, %run_scoped3A_18, %dma_start3A_32] : memref<10x1x1000xi32, #tpu.memory_space<hbm>> -> memref<1x1x1000xi32, #tpu.memory_space<hbm>>
      %dma_start3A_34 = tpu.memref_squeeze %dma_start3A_33 : memref<1x1x1000xi32, #tpu.memory_space<hbm>> -> memref<1000xi32, #tpu.memory_space<hbm>>
      %dma_start3A_35 = arith.constant 7000 : i32
      %dma_start3A_36 = tpu.memref_slice %arg6[%dma_start3A_35] : memref<10000xi32, #tpu.memory_space<vmem>> -> memref<1000xi32, #tpu.memory_space<vmem>>
      %dma_start3A_37 = arith.constant 0 : i32
      %dma_start3A_38 = tpu.memref_slice %arg2[%run_scoped3A_17, %run_scoped3A_18, %dma_start3A_37] : memref<10x1x1000xi32, #tpu.memory_space<hbm>> -> memref<1x1x1000xi32, #tpu.memory_space<hbm>>
      %dma_start3A_39 = tpu.memref_squeeze %dma_start3A_38 : memref<1x1x1000xi32, #tpu.memory_space<hbm>> -> memref<1000xi32, #tpu.memory_space<hbm>>
      tpu.enqueue_dma source(%dma_start3A_39 : memref<1000xi32, #tpu.memory_space<hbm>>) target(%dma_start3A_36 : memref<1000xi32, #tpu.memory_space<vmem>>) target_semaphore(%run_scoped3A_30 : memref<!tpu.dma_semaphore, #tpu.memory_space<semaphore_mem>>)
      %dma_wait3A = arith.constant 7000 : i32
      %dma_wait3A_40 = tpu.memref_slice %arg6[%dma_wait3A] : memref<10000xi32, #tpu.memory_space<vmem>> -> memref<1000xi32, #tpu.memory_space<vmem>>
      %dma_wait3A_41 = arith.constant 0 : i32
      %dma_wait3A_42 = tpu.memref_slice %arg2[%run_scoped3A_17, %run_scoped3A_18, %dma_wait3A_41] : memref<10x1x1000xi32, #tpu.memory_space<hbm>> -> memref<1x1x1000xi32, #tpu.memory_space<hbm>>
      %dma_wait3A_43 = tpu.memref_squeeze %dma_wait3A_42 : memref<1x1x1000xi32, #tpu.memory_space<hbm>> -> memref<1000xi32, #tpu.memory_space<hbm>>
      %dma_wait3A_44 = arith.constant 7000 : i32
      %dma_wait3A_45 = tpu.memref_slice %arg6[%dma_wait3A_44] : memref<10000xi32, #tpu.memory_space<vmem>> -> memref<1000xi32, #tpu.memory_space<vmem>>
      %dma_wait3A_46 = arith.constant 0 : i32
      %dma_wait3A_47 = tpu.memref_slice %arg2[%run_scoped3A_17, %run_scoped3A_18, %dma_wait3A_46] : memref<10x1x1000xi32, #tpu.memory_space<hbm>> -> memref<1x1x1000xi32, #tpu.memory_space<hbm>>
      %dma_wait3A_48 = tpu.memref_squeeze %dma_wait3A_47 : memref<1x1x1000xi32, #tpu.memory_space<hbm>> -> memref<1000xi32, #tpu.memory_space<hbm>>
      tpu.wait_dma2 semaphore(%run_scoped3A_30 : memref<!tpu.dma_semaphore, #tpu.memory_space<semaphore_mem>>) src(%dma_wait3A_48 : memref<1000xi32, #tpu.memory_space<hbm>>) dst(%dma_wait3A_45 : memref<1000xi32, #tpu.memory_space<vmem>>)
      tpu.yield
    }) : () -> ()
    %run_scoped3A_19 = arith.constant 8 : i32
    %run_scoped3A_20 = arith.constant 0 : i32
    "tpu.region"() ({
      %run_scoped3A_30 = tpu.sem_alloc : memref<!tpu.dma_semaphore, #tpu.memory_space<semaphore_mem>>
      %dma_start3A = arith.constant 8000 : i32
      %dma_start3A_31 = tpu.memref_slice %arg6[%dma_start3A] : memref<10000xi32, #tpu.memory_space<vmem>> -> memref<1000xi32, #tpu.memory_space<vmem>>
      %dma_start3A_32 = arith.constant 0 : i32
      %dma_start3A_33 = tpu.memref_slice %arg2[%run_scoped3A_19, %run_scoped3A_20, %dma_start3A_32] : memref<10x1x1000xi32, #tpu.memory_space<hbm>> -> memref<1x1x1000xi32, #tpu.memory_space<hbm>>
      %dma_start3A_34 = tpu.memref_squeeze %dma_start3A_33 : memref<1x1x1000xi32, #tpu.memory_space<hbm>> -> memref<1000xi32, #tpu.memory_space<hbm>>
      %dma_start3A_35 = arith.constant 8000 : i32
      %dma_start3A_36 = tpu.memref_slice %arg6[%dma_start3A_35] : memref<10000xi32, #tpu.memory_space<vmem>> -> memref<1000xi32, #tpu.memory_space<vmem>>
      %dma_start3A_37 = arith.constant 0 : i32
      %dma_start3A_38 = tpu.memref_slice %arg2[%run_scoped3A_19, %run_scoped3A_20, %dma_start3A_37] : memref<10x1x1000xi32, #tpu.memory_space<hbm>> -> memref<1x1x1000xi32, #tpu.memory_space<hbm>>
      %dma_start3A_39 = tpu.memref_squeeze %dma_start3A_38 : memref<1x1x1000xi32, #tpu.memory_space<hbm>> -> memref<1000xi32, #tpu.memory_space<hbm>>
      tpu.enqueue_dma source(%dma_start3A_39 : memref<1000xi32, #tpu.memory_space<hbm>>) target(%dma_start3A_36 : memref<1000xi32, #tpu.memory_space<vmem>>) target_semaphore(%run_scoped3A_30 : memref<!tpu.dma_semaphore, #tpu.memory_space<semaphore_mem>>)
      %dma_wait3A = arith.constant 8000 : i32
      %dma_wait3A_40 = tpu.memref_slice %arg6[%dma_wait3A] : memref<10000xi32, #tpu.memory_space<vmem>> -> memref<1000xi32, #tpu.memory_space<vmem>>
      %dma_wait3A_41 = arith.constant 0 : i32
      %dma_wait3A_42 = tpu.memref_slice %arg2[%run_scoped3A_19, %run_scoped3A_20, %dma_wait3A_41] : memref<10x1x1000xi32, #tpu.memory_space<hbm>> -> memref<1x1x1000xi32, #tpu.memory_space<hbm>>
      %dma_wait3A_43 = tpu.memref_squeeze %dma_wait3A_42 : memref<1x1x1000xi32, #tpu.memory_space<hbm>> -> memref<1000xi32, #tpu.memory_space<hbm>>
      %dma_wait3A_44 = arith.constant 8000 : i32
      %dma_wait3A_45 = tpu.memref_slice %arg6[%dma_wait3A_44] : memref<10000xi32, #tpu.memory_space<vmem>> -> memref<1000xi32, #tpu.memory_space<vmem>>
      %dma_wait3A_46 = arith.constant 0 : i32
      %dma_wait3A_47 = tpu.memref_slice %arg2[%run_scoped3A_19, %run_scoped3A_20, %dma_wait3A_46] : memref<10x1x1000xi32, #tpu.memory_space<hbm>> -> memref<1x1x1000xi32, #tpu.memory_space<hbm>>
      %dma_wait3A_48 = tpu.memref_squeeze %dma_wait3A_47 : memref<1x1x1000xi32, #tpu.memory_space<hbm>> -> memref<1000xi32, #tpu.memory_space<hbm>>
      tpu.wait_dma2 semaphore(%run_scoped3A_30 : memref<!tpu.dma_semaphore, #tpu.memory_space<semaphore_mem>>) src(%dma_wait3A_48 : memref<1000xi32, #tpu.memory_space<hbm>>) dst(%dma_wait3A_45 : memref<1000xi32, #tpu.memory_space<vmem>>)
      tpu.yield
    }) : () -> ()
    %run_scoped3A_21 = arith.constant 9 : i32
    %run_scoped3A_22 = arith.constant 0 : i32
    "tpu.region"() ({
      %run_scoped3A_30 = tpu.sem_alloc : memref<!tpu.dma_semaphore, #tpu.memory_space<semaphore_mem>>
      %dma_start3A = arith.constant 9000 : i32
      %dma_start3A_31 = tpu.memref_slice %arg6[%dma_start3A] : memref<10000xi32, #tpu.memory_space<vmem>> -> memref<1000xi32, #tpu.memory_space<vmem>>
      %dma_start3A_32 = arith.constant 0 : i32
      %dma_start3A_33 = tpu.memref_slice %arg2[%run_scoped3A_21, %run_scoped3A_22, %dma_start3A_32] : memref<10x1x1000xi32, #tpu.memory_space<hbm>> -> memref<1x1x1000xi32, #tpu.memory_space<hbm>>
      %dma_start3A_34 = tpu.memref_squeeze %dma_start3A_33 : memref<1x1x1000xi32, #tpu.memory_space<hbm>> -> memref<1000xi32, #tpu.memory_space<hbm>>
      %dma_start3A_35 = arith.constant 9000 : i32
      %dma_start3A_36 = tpu.memref_slice %arg6[%dma_start3A_35] : memref<10000xi32, #tpu.memory_space<vmem>> -> memref<1000xi32, #tpu.memory_space<vmem>>
      %dma_start3A_37 = arith.constant 0 : i32
      %dma_start3A_38 = tpu.memref_slice %arg2[%run_scoped3A_21, %run_scoped3A_22, %dma_start3A_37] : memref<10x1x1000xi32, #tpu.memory_space<hbm>> -> memref<1x1x1000xi32, #tpu.memory_space<hbm>>
      %dma_start3A_39 = tpu.memref_squeeze %dma_start3A_38 : memref<1x1x1000xi32, #tpu.memory_space<hbm>> -> memref<1000xi32, #tpu.memory_space<hbm>>
      tpu.enqueue_dma source(%dma_start3A_39 : memref<1000xi32, #tpu.memory_space<hbm>>) target(%dma_start3A_36 : memref<1000xi32, #tpu.memory_space<vmem>>) target_semaphore(%run_scoped3A_30 : memref<!tpu.dma_semaphore, #tpu.memory_space<semaphore_mem>>)
      %dma_wait3A = arith.constant 9000 : i32
      %dma_wait3A_40 = tpu.memref_slice %arg6[%dma_wait3A] : memref<10000xi32, #tpu.memory_space<vmem>> -> memref<1000xi32, #tpu.memory_space<vmem>>
      %dma_wait3A_41 = arith.constant 0 : i32
      %dma_wait3A_42 = tpu.memref_slice %arg2[%run_scoped3A_21, %run_scoped3A_22, %dma_wait3A_41] : memref<10x1x1000xi32, #tpu.memory_space<hbm>> -> memref<1x1x1000xi32, #tpu.memory_space<hbm>>
      %dma_wait3A_43 = tpu.memref_squeeze %dma_wait3A_42 : memref<1x1x1000xi32, #tpu.memory_space<hbm>> -> memref<1000xi32, #tpu.memory_space<hbm>>
      %dma_wait3A_44 = arith.constant 9000 : i32
      %dma_wait3A_45 = tpu.memref_slice %arg6[%dma_wait3A_44] : memref<10000xi32, #tpu.memory_space<vmem>> -> memref<1000xi32, #tpu.memory_space<vmem>>
      %dma_wait3A_46 = arith.constant 0 : i32
      %dma_wait3A_47 = tpu.memref_slice %arg2[%run_scoped3A_21, %run_scoped3A_22, %dma_wait3A_46] : memref<10x1x1000xi32, #tpu.memory_space<hbm>> -> memref<1x1x1000xi32, #tpu.memory_space<hbm>>
      %dma_wait3A_48 = tpu.memref_squeeze %dma_wait3A_47 : memref<1x1x1000xi32, #tpu.memory_space<hbm>> -> memref<1000xi32, #tpu.memory_space<hbm>>
      tpu.wait_dma2 semaphore(%run_scoped3A_30 : memref<!tpu.dma_semaphore, #tpu.memory_space<semaphore_mem>>) src(%dma_wait3A_48 : memref<1000xi32, #tpu.memory_space<hbm>>) dst(%dma_wait3A_45 : memref<1000xi32, #tpu.memory_space<vmem>>)
      tpu.yield
    }) : () -> ()
    "tpu.region"() ({
      %run_scoped3A_30 = tpu.sem_alloc : memref<!tpu.dma_semaphore, #tpu.memory_space<semaphore_mem>>
      %dma_start3A = arith.constant 0 : i32
      %dma_start3A_31 = tpu.memref_slice %arg3[%dma_start3A, %min3A_3] : memref<2x320000xi32, #tpu.memory_space<hbm>> -> memref<2x10112xi32, #tpu.memory_space<hbm>>
      %dma_start3A_32 = arith.constant 0 : i32
      %dma_start3A_33 = tpu.memref_slice %arg3[%dma_start3A_32, %min3A_3] : memref<2x320000xi32, #tpu.memory_space<hbm>> -> memref<2x10112xi32, #tpu.memory_space<hbm>>
      tpu.enqueue_dma source(%dma_start3A_33 : memref<2x10112xi32, #tpu.memory_space<hbm>>) target(%arg7 : memref<2x10112xi32, #tpu.memory_space<vmem>>) target_semaphore(%run_scoped3A_30 : memref<!tpu.dma_semaphore, #tpu.memory_space<semaphore_mem>>)
      %dma_wait3A = arith.constant 0 : i32
      %dma_wait3A_34 = tpu.memref_slice %arg3[%dma_wait3A, %min3A_3] : memref<2x320000xi32, #tpu.memory_space<hbm>> -> memref<2x10112xi32, #tpu.memory_space<hbm>>
      %dma_wait3A_35 = arith.constant 0 : i32
      %dma_wait3A_36 = tpu.memref_slice %arg3[%dma_wait3A_35, %min3A_3] : memref<2x320000xi32, #tpu.memory_space<hbm>> -> memref<2x10112xi32, #tpu.memory_space<hbm>>
      tpu.wait_dma2 semaphore(%run_scoped3A_30 : memref<!tpu.dma_semaphore, #tpu.memory_space<semaphore_mem>>) src(%dma_wait3A_36 : memref<2x10112xi32, #tpu.memory_space<hbm>>) dst(%arg7 : memref<2x10112xi32, #tpu.memory_space<vmem>>)
      tpu.yield
    }) : () -> ()
    %parallel_loop3A = arith.constant 0 : i32
    %parallel_loop3A_23 = arith.constant 632 : i32
    %parallel_loop3A_24 = arith.constant 1 : i32
    scf.for %parallel_loop3A_30 = %parallel_loop3A to %parallel_loop3A_23 step %parallel_loop3A_24  : i32 {
      %parallel_loop3A_31 = arith.constant 16 : i32
      %parallel_loop3A_32 = arith.muli %parallel_loop3A_30, %parallel_loop3A_31 : i32
      %parallel_loop3A_33 = arith.constant 0 : i32
      %parallel_loop3A_34 = arith.index_cast %parallel_loop3A_33 : i32 to index
      %parallel_loop3A_35 = arith.index_cast %parallel_loop3A_32 : i32 to index
      %parallel_loop3A_36 = tpu.vector_load %arg7[%parallel_loop3A_34, %parallel_loop3A_35] {strides = array<i32>} : memref<2x10112xi32, #tpu.memory_space<vmem>>, vector<16xi32>,
      %parallel_loop3A_37 = tpu.vector_load_idx %arg6[%parallel_loop3A_36] : memref<10000xi32, #tpu.memory_space<vmem>>[vector<16xi32>], vector<16xi32>,
      %parallel_loop3A_38 = arith.constant 0 : i32
      %parallel_loop3A_39 = arith.index_cast %parallel_loop3A_38 : i32 to index
      %parallel_loop3A_40 = arith.index_cast %parallel_loop3A_32 : i32 to index
      %parallel_loop3A_41 = tpu.vector_load %arg8[%parallel_loop3A_39, %parallel_loop3A_40] {strides = array<i32>} : memref<2x10112xi32, #tpu.memory_space<vmem>>, vector<16xi32>,
      tpu.vector_store %arg8[%parallel_loop3A_39, %parallel_loop3A_40], %parallel_loop3A_37 {strides = array<i32>} : memref<2x10112xi32, #tpu.memory_space<vmem>>, vector<16xi32>,
    } {sc.loop_unroll_factor = 8 : i64, sc.parallel_access}
    %parallel_loop3A_25 = arith.constant 0 : i32
    %parallel_loop3A_26 = arith.constant 632 : i32
    %parallel_loop3A_27 = arith.constant 1 : i32
    scf.for %parallel_loop3A_30 = %parallel_loop3A_25 to %parallel_loop3A_26 step %parallel_loop3A_27  : i32 {
      %parallel_loop3A_31 = arith.constant 16 : i32
      %parallel_loop3A_32 = arith.muli %parallel_loop3A_30, %parallel_loop3A_31 : i32
      %parallel_loop3A_33 = arith.constant 1 : i32
      %parallel_loop3A_34 = arith.index_cast %parallel_loop3A_33 : i32 to index
      %parallel_loop3A_35 = arith.index_cast %parallel_loop3A_32 : i32 to index
      %parallel_loop3A_36 = tpu.vector_load %arg7[%parallel_loop3A_34, %parallel_loop3A_35] {strides = array<i32>} : memref<2x10112xi32, #tpu.memory_space<vmem>>, vector<16xi32>,
      %parallel_loop3A_37 = tpu.vector_load_idx %arg6[%parallel_loop3A_36] : memref<10000xi32, #tpu.memory_space<vmem>>[vector<16xi32>], vector<16xi32>,
      %parallel_loop3A_38 = arith.constant 1 : i32
      %parallel_loop3A_39 = arith.index_cast %parallel_loop3A_38 : i32 to index
      %parallel_loop3A_40 = arith.index_cast %parallel_loop3A_32 : i32 to index
      %parallel_loop3A_41 = tpu.vector_load %arg8[%parallel_loop3A_39, %parallel_loop3A_40] {strides = array<i32>} : memref<2x10112xi32, #tpu.memory_space<vmem>>, vector<16xi32>,
      tpu.vector_store %arg8[%parallel_loop3A_39, %parallel_loop3A_40], %parallel_loop3A_37 {strides = array<i32>} : memref<2x10112xi32, #tpu.memory_space<vmem>>, vector<16xi32>,
    } {sc.loop_unroll_factor = 8 : i64, sc.parallel_access}
    "tpu.region"() ({
      %run_scoped3A_30 = tpu.sem_alloc : memref<!tpu.dma_semaphore, #tpu.memory_space<semaphore_mem>>
      %dma_start3A = arith.constant 0 : i32
      %dma_start3A_31 = tpu.memref_slice %arg4[%dma_start3A, %min3A_3] : memref<2x320000xi32, #tpu.memory_space<hbm>> -> memref<2x10112xi32, #tpu.memory_space<hbm>>
      %dma_start3A_32 = arith.constant 0 : i32
      %dma_start3A_33 = tpu.memref_slice %arg4[%dma_start3A_32, %min3A_3] : memref<2x320000xi32, #tpu.memory_space<hbm>> -> memref<2x10112xi32, #tpu.memory_space<hbm>>
      tpu.enqueue_dma source(%arg8 : memref<2x10112xi32, #tpu.memory_space<vmem>>) target(%dma_start3A_33 : memref<2x10112xi32, #tpu.memory_space<hbm>>) target_semaphore(%run_scoped3A_30 : memref<!tpu.dma_semaphore, #tpu.memory_space<semaphore_mem>>)
      %dma_wait3A = arith.constant 0 : i32
      %dma_wait3A_34 = tpu.memref_slice %arg4[%dma_wait3A, %min3A_3] : memref<2x320000xi32, #tpu.memory_space<hbm>> -> memref<2x10112xi32, #tpu.memory_space<hbm>>
      %dma_wait3A_35 = arith.constant 0 : i32
      %dma_wait3A_36 = tpu.memref_slice %arg4[%dma_wait3A_35, %min3A_3] : memref<2x320000xi32, #tpu.memory_space<hbm>> -> memref<2x10112xi32, #tpu.memory_space<hbm>>
      tpu.wait_dma2 semaphore(%run_scoped3A_30 : memref<!tpu.dma_semaphore, #tpu.memory_space<semaphore_mem>>) src(%arg8 : memref<2x10112xi32, #tpu.memory_space<vmem>>) dst(%dma_wait3A_36 : memref<2x10112xi32, #tpu.memory_space<hbm>>)
      tpu.yield
    }) : () -> ()
    %eq3A = arith.constant 0 : i32
    %eq3A_28 = arith.cmpi eq, %add3A, %eq3A : i32
    %convert_element_type3A = arith.extui %eq3A_28 : i1 to i32
    %cond3A = arith.constant 0 : i32
    %cond3A_29 = arith.cmpi ne, %convert_element_type3A, %cond3A : i32
    scf.if %cond3A_29 {
      "tpu.region"() ({
        %run_scoped3A_30 = tpu.sem_alloc : memref<!tpu.dma_semaphore, #tpu.memory_space<semaphore_mem>>
        tpu.enqueue_dma source(%arg6 : memref<10000xi32, #tpu.memory_space<vmem>>) target(%arg5 : memref<10000xi32, #tpu.memory_space<hbm>>) target_semaphore(%run_scoped3A_30 : memref<!tpu.dma_semaphore, #tpu.memory_space<semaphore_mem>>)
        tpu.wait_dma2 semaphore(%run_scoped3A_30 : memref<!tpu.dma_semaphore, #tpu.memory_space<semaphore_mem>>) src(%arg6 : memref<10000xi32, #tpu.memory_space<vmem>>) dst(%arg5 : memref<10000xi32, #tpu.memory_space<hbm>>)
        tpu.yield
      }) : () -> ()
    } else {
    }
    return
  }
}

module attributes {stable_mosaic.version = 14 : i64} {
  func.func @_select_body(%arg0: i32, %arg1: memref<1000x128xf32, #tpu.memory_space<vmem>>, %arg2: memref<128x2000xf32, #tpu.memory_space<vmem>>, %arg3: memref<1x1x1000xi32, #tpu.memory_space<vmem>>, %arg4: memref<1x1x1000xf32, #tpu.memory_space<vmem>>) attributes {dimension_semantics = [#tpu.dimension_semantics<arbitrary>], iteration_bounds = array<i64: 10>, scalar_prefetch = 0 : i64, scratch_operands = 0 : i64, tpu.core_type = #tpu.core_type<tc>, window_params = [{transform_indices = @transform_0, window_bounds = array<i64: 1000, 128>}, {pipeline_mode = #tpu.pipeline_mode<synchronous>, transform_indices = @transform_1, window_bounds = array<i64: 128, 2000>}, {transform_indices = @transform_2, window_bounds = array<i64: 1, 1, 1000>}, {transform_indices = @transform_3, window_bounds = array<i64: 1, 1, 1000>}]} {
    %get3A = arith.constant 0 : index
    %get3A_0 = arith.constant 0 : index
    %get3A_1 = vector.load %arg1[%get3A, %get3A_0] : memref<1000x128xf32, #tpu.memory_space<vmem>>, vector<1000x128xf32>
    %get3A_2 = arith.constant 0 : index
    %get3A_3 = arith.constant 0 : index
    %get3A_4 = vector.load %arg2[%get3A_2, %get3A_3] : memref<128x2000xf32, #tpu.memory_space<vmem>>, vector<128x2000xf32>
    %dot_general3A = arith.constant dense<0.000000e+00> : vector<2000x1000xf32>
    %dot_general3A_5 = tpu.matmul %get3A_4, %get3A_1, %dot_general3A {dimension_numbers = #tpu.dot_dimension_numbers<[0], [1], [1], [0], [0, 1, 1, 0], [], []>, transpose_lhs_hint = false} : vector<128x2000xf32>, vector<1000x128xf32>, vector<2000x1000xf32> -> vector<2000x1000xf32>
    %reduce_max3A = arith.constant dense<0xFF800000> : vector<1000xf32>
    %reduce_max3A_6 = vector.multi_reduction <maximumf>, %dot_general3A_5, %reduce_max3A [0] : vector<2000x1000xf32> to vector<1000xf32>
    %argmax3A = tpu.reduce_index %dot_general3A_5 {axis = 0 : i32, kind = #tpu.reduction_kind<arg_max>} : vector<2000x1000xf32> -> vector<1000xi32>
    %exp3A = math.exp %reduce_max3A_6 : vector<1000xf32>
    %exp3A_7 = math.exp %dot_general3A_5 : vector<2000x1000xf32>
    %reduce_sum3A = arith.constant dense<0.000000e+00> : vector<1000xf32>
    %reduce_sum3A_8 = vector.multi_reduction <add>, %exp3A_7, %reduce_sum3A [0] : vector<2000x1000xf32> to vector<1000xf32>
    %div3A = arith.divf %exp3A, %reduce_sum3A_8 : vector<1000xf32>
    %swap3A = arith.constant 0 : index
    %swap3A_9 = arith.constant 0 : index
    %swap3A_10 = arith.constant 0 : index
    %swap3A_11 = vector.load %arg3[%swap3A, %swap3A_9, %swap3A_10] : memref<1x1x1000xi32, #tpu.memory_space<vmem>>, vector<1x1x1000xi32>
    %swap3A_12 = vector.shape_cast %swap3A_11 : vector<1x1x1000xi32> to vector<1000xi32>
    %swap3A_13 = vector.shape_cast %argmax3A : vector<1000xi32> to vector<1x1x1000xi32>
    tpu.vector_store %arg3[%swap3A, %swap3A_9, %swap3A_10], %swap3A_13 {strides = array<i32>} : memref<1x1x1000xi32, #tpu.memory_space<vmem>>, vector<1x1x1000xi32>,
    %swap3A_14 = arith.constant 0 : index
    %swap3A_15 = arith.constant 0 : index
    %swap3A_16 = arith.constant 0 : index
    %swap3A_17 = vector.load %arg4[%swap3A_14, %swap3A_15, %swap3A_16] : memref<1x1x1000xf32, #tpu.memory_space<vmem>>, vector<1x1x1000xf32>
    %swap3A_18 = vector.shape_cast %swap3A_17 : vector<1x1x1000xf32> to vector<1000xf32>
    %swap3A_19 = vector.shape_cast %div3A : vector<1000xf32> to vector<1x1x1000xf32>
    tpu.vector_store %arg4[%swap3A_14, %swap3A_15, %swap3A_16], %swap3A_19 {strides = array<i32>} : memref<1x1x1000xf32, #tpu.memory_space<vmem>>, vector<1x1x1000xf32>,
    return
  }
  func.func @transform_0(%arg0: i32) -> (i32, i32) {
    %c0_i32 = arith.constant 0 : i32
    %c0_i32_0 = arith.constant 0 : i32
    return %arg0, %c0_i32 : i32, i32
  }
  func.func @transform_1(%arg0: i32) -> (i32, i32) {
    %c0_i32 = arith.constant 0 : i32
    %c0_i32_0 = arith.constant 0 : i32
    %c0_i32_1 = arith.constant 0 : i32
    return %c0_i32, %c0_i32_0 : i32, i32
  }
  func.func @transform_2(%arg0: i32) -> (i32, i32, i32) {
    %c0_i32 = arith.constant 0 : i32
    %c0_i32_0 = arith.constant 0 : i32
    %c0_i32_1 = arith.constant 0 : i32
    return %arg0, %c0_i32, %c0_i32_0 : i32, i32, i32
  }
  func.func @transform_3(%arg0: i32) -> (i32, i32, i32) {
    %c0_i32 = arith.constant 0 : i32
    %c0_i32_0 = arith.constant 0 : i32
    %c0_i32_1 = arith.constant 0 : i32
    return %arg0, %c0_i32, %c0_i32_0 : i32, i32, i32
  }
}

module attributes {stable_mosaic.version = 14 : i64} {
  func.func @_pool_body(%arg0: i32, %arg1: memref<1000x128xf32, #tpu.memory_space<vmem>>, %arg2: memref<1x1x1000xi32, #tpu.memory_space<vmem>>, %arg3: memref<1x1x1000xf32, #tpu.memory_space<vmem>>, %arg4: memref<1x1x1000xi32, #tpu.memory_space<vmem>>, %arg5: memref<2000x128xf32, #tpu.memory_space<vmem>>, %arg6: memref<1x2000xi32, #tpu.memory_space<vmem>>) attributes {dimension_semantics = [#tpu.dimension_semantics<arbitrary>], iteration_bounds = array<i64: 10>, scalar_prefetch = 0 : i64, scratch_operands = 0 : i64, tpu.core_type = #tpu.core_type<tc>, window_params = [{transform_indices = @transform_0, window_bounds = array<i64: 1000, 128>}, {transform_indices = @transform_1, window_bounds = array<i64: 1, 1, 1000>}, {transform_indices = @transform_2, window_bounds = array<i64: 1, 1, 1000>}, {transform_indices = @transform_3, window_bounds = array<i64: 1, 1, 1000>}, {pipeline_mode = #tpu.pipeline_mode<synchronous>, transform_indices = @transform_4, window_bounds = array<i64: 2000, 128>}, {pipeline_mode = #tpu.pipeline_mode<synchronous>, transform_indices = @transform_5, window_bounds = array<i64: 1, 2000>}]} {
    %get3A = arith.constant 0 : index
    %get3A_0 = arith.constant 0 : index
    %get3A_1 = vector.load %arg1[%get3A, %get3A_0] : memref<1000x128xf32, #tpu.memory_space<vmem>>, vector<1000x128xf32>
    %get3A_2 = arith.constant 0 : index
    %get3A_3 = arith.constant 0 : index
    %get3A_4 = arith.constant 0 : index
    %get3A_5 = vector.load %arg2[%get3A_2, %get3A_3, %get3A_4] : memref<1x1x1000xi32, #tpu.memory_space<vmem>>, vector<1x1x1000xi32>
    %get3A_6 = vector.shape_cast %get3A_5 : vector<1x1x1000xi32> to vector<1000xi32>
    %get3A_7 = arith.constant 0 : index
    %get3A_8 = arith.constant 0 : index
    %get3A_9 = arith.constant 0 : index
    %get3A_10 = vector.load %arg3[%get3A_7, %get3A_8, %get3A_9] : memref<1x1x1000xf32, #tpu.memory_space<vmem>>, vector<1x1x1000xf32>
    %get3A_11 = vector.shape_cast %get3A_10 : vector<1x1x1000xf32> to vector<1000xf32>
    %iota3A = tpu.iota {dimensions = array<i32: 0>} : vector<2000x1000xi16>
    %convert_element_type3A = arith.trunci %get3A_6 : vector<1000xi32> to vector<1000xi16>
    %broadcast_in_dim3A = vector.shape_cast %convert_element_type3A : vector<1000xi16> to vector<1x1000xi16>
    %eq3A = vector.broadcast %broadcast_in_dim3A : vector<1x1000xi16> to vector<2000x1000xi16>
    %eq3A_12 = arith.cmpi eq, %iota3A, %eq3A : vector<2000x1000xi16>
    %convert_element_type3A_13 = arith.truncf %get3A_11 : vector<1000xf32> to vector<1000xbf16>
    %broadcast_in_dim3A_14 = vector.shape_cast %convert_element_type3A_13 : vector<1000xbf16> to vector<1x1000xbf16>
    %jit3A = arith.constant 0.000000e+00 : bf16
    %broadcast_in_dim3A_15 = vector.shape_cast %broadcast_in_dim3A_14 : vector<1x1000xbf16> to vector<1x1000xbf16>
    %broadcast_in_dim3A_16 = vector.broadcast %broadcast_in_dim3A_15 : vector<1x1000xbf16> to vector<2000x1000xbf16>
    %broadcast_in_dim3A_17 = vector.broadcast %jit3A : bf16 to vector<2000x1000xbf16>
    %select_n3A = arith.select %eq3A_12, %broadcast_in_dim3A_16, %broadcast_in_dim3A_17 : vector<2000x1000xi1>, vector<2000x1000xbf16>
    %convert_element_type3A_18 = arith.truncf %get3A_1 : vector<1000x128xf32> to vector<1000x128xbf16>
    %dot_general3A = arith.constant dense<0.000000e+00> : vector<2000x128xf32>
    %dot_general3A_19 = tpu.matmul %select_n3A, %convert_element_type3A_18, %dot_general3A {dimension_numbers = #tpu.dot_dimension_numbers<[1], [0], [0], [1], [0, 0, 1, 1], [], []>, transpose_lhs_hint = false} : vector<2000x1000xbf16>, vector<1000x128xbf16>, vector<2000x128xf32> -> vector<2000x128xf32>
    %get3A_20 = arith.constant 0 : index
    %get3A_21 = arith.constant 0 : index
    %get3A_22 = arith.constant 0 : index
    %get3A_23 = vector.load %arg4[%get3A_20, %get3A_21, %get3A_22] : memref<1x1x1000xi32, #tpu.memory_space<vmem>>, vector<1x1x1000xi32>
    %get3A_24 = vector.shape_cast %get3A_23 : vector<1x1x1000xi32> to vector<1000xi32>
    %convert_element_type3A_25 = arith.sitofp %get3A_24 : vector<1000xi32> to vector<1000xbf16>
    %broadcast_in_dim3A_26 = vector.shape_cast %convert_element_type3A_25 : vector<1000xbf16> to vector<1x1000xbf16>
    %jit3A_27 = arith.constant -1.000000e+00 : bf16
    %broadcast_in_dim3A_28 = vector.shape_cast %broadcast_in_dim3A_26 : vector<1x1000xbf16> to vector<1x1000xbf16>
    %broadcast_in_dim3A_29 = vector.broadcast %broadcast_in_dim3A_28 : vector<1x1000xbf16> to vector<2000x1000xbf16>
    %broadcast_in_dim3A_30 = vector.broadcast %jit3A_27 : bf16 to vector<2000x1000xbf16>
    %select_n3A_31 = arith.select %eq3A_12, %broadcast_in_dim3A_29, %broadcast_in_dim3A_30 : vector<2000x1000xi1>, vector<2000x1000xbf16>
    %reduce_max3A = arith.constant dense<0xFF80> : vector<2000xbf16>
    %reduce_max3A_32 = vector.multi_reduction <maximumf>, %select_n3A_31, %reduce_max3A [1] : vector<2000x1000xbf16> to vector<2000xbf16>
    %convert_element_type3A_33 = arith.fptosi %reduce_max3A_32 : vector<2000xbf16> to vector<2000xi32>
    %eq3A_34 = arith.constant 0 : i32
    %eq3A_35 = arith.cmpi eq, %arg0, %eq3A_34 : i32
    %convert_element_type3A_36 = arith.extui %eq3A_35 : i1 to i32
    %cond3A = arith.constant 0 : i32
    %cond3A_37 = arith.cmpi ne, %convert_element_type3A_36, %cond3A : i32
    scf.if %cond3A_37 {
      %broadcast_in_dim3A_55 = arith.constant 0.000000e+00 : f32
      %broadcast_in_dim3A_56 = vector.broadcast %broadcast_in_dim3A_55 : f32 to vector<2000x128xf32>
      %swap3A_57 = arith.constant 0 : index
      %swap3A_58 = arith.constant 0 : index
      %swap3A_59 = vector.load %arg5[%swap3A_57, %swap3A_58] : memref<2000x128xf32, #tpu.memory_space<vmem>>, vector<2000x128xf32>
      tpu.vector_store %arg5[%swap3A_57, %swap3A_58], %broadcast_in_dim3A_56 {strides = array<i32>} : memref<2000x128xf32, #tpu.memory_space<vmem>>, vector<2000x128xf32>,
      %broadcast_in_dim3A_60 = arith.constant -1 : i32
      %broadcast_in_dim3A_61 = vector.broadcast %broadcast_in_dim3A_60 : i32 to vector<1x2000xi32>
      %swap3A_62 = arith.constant 0 : index
      %swap3A_63 = arith.constant 0 : index
      %swap3A_64 = vector.load %arg6[%swap3A_62, %swap3A_63] : memref<1x2000xi32, #tpu.memory_space<vmem>>, vector<1x2000xi32>
      tpu.vector_store %arg6[%swap3A_62, %swap3A_63], %broadcast_in_dim3A_61 {strides = array<i32>} : memref<1x2000xi32, #tpu.memory_space<vmem>>, vector<1x2000xi32>,
    } else {
    }
    %get3A_38 = arith.constant 0 : index
    %get3A_39 = arith.constant 0 : index
    %get3A_40 = vector.load %arg5[%get3A_38, %get3A_39] : memref<2000x128xf32, #tpu.memory_space<vmem>>, vector<2000x128xf32>
    %add3A = arith.addf %get3A_40, %dot_general3A_19 : vector<2000x128xf32>
    %swap3A = arith.constant 0 : index
    %swap3A_41 = arith.constant 0 : index
    %swap3A_42 = vector.load %arg5[%swap3A, %swap3A_41] : memref<2000x128xf32, #tpu.memory_space<vmem>>, vector<2000x128xf32>
    tpu.vector_store %arg5[%swap3A, %swap3A_41], %add3A {strides = array<i32>} : memref<2000x128xf32, #tpu.memory_space<vmem>>, vector<2000x128xf32>,
    %get3A_43 = arith.constant 0 : index
    %get3A_44 = arith.constant 0 : index
    %get3A_45 = vector.load %arg6[%get3A_43, %get3A_44] : memref<1x2000xi32, #tpu.memory_space<vmem>>, vector<1x2000xi32>
    %broadcast_in_dim3A_46 = vector.shape_cast %convert_element_type3A_33 : vector<2000xi32> to vector<1x2000xi32>
    %max3A = arith.maxsi %get3A_45, %broadcast_in_dim3A_46 : vector<1x2000xi32>
    %swap3A_47 = arith.constant 0 : index
    %swap3A_48 = arith.constant 0 : index
    %swap3A_49 = vector.load %arg6[%swap3A_47, %swap3A_48] : memref<1x2000xi32, #tpu.memory_space<vmem>>, vector<1x2000xi32>
    tpu.vector_store %arg6[%swap3A_47, %swap3A_48], %max3A {strides = array<i32>} : memref<1x2000xi32, #tpu.memory_space<vmem>>, vector<1x2000xi32>,
    %eq3A_50 = arith.constant 9 : i32
    %eq3A_51 = arith.cmpi eq, %arg0, %eq3A_50 : i32
    %convert_element_type3A_52 = arith.extui %eq3A_51 : i1 to i32
    %cond3A_53 = arith.constant 0 : i32
    %cond3A_54 = arith.cmpi ne, %convert_element_type3A_52, %cond3A_53 : i32
    scf.if %cond3A_54 {
      %get3A_55 = arith.constant 0 : index
      %get3A_56 = arith.constant 0 : index
      %get3A_57 = vector.load %arg6[%get3A_55, %get3A_56] : memref<1x2000xi32, #tpu.memory_space<vmem>>, vector<1x2000xi32>
      %iota3A_58 = tpu.iota {dimensions = array<i32: 1>} : vector<1x2000xi32>
      %lt3A = arith.constant 0 : i32
      %lt3A_59 = vector.broadcast %lt3A : i32 to vector<1x2000xi32>
      %lt3A_60 = arith.cmpi slt, %get3A_57, %lt3A_59 : vector<1x2000xi32>
      %select_n3A_61 = arith.select %lt3A_60, %iota3A_58, %get3A_57 : vector<1x2000xi1>, vector<1x2000xi32>
      %swap3A_62 = arith.constant 0 : index
      %swap3A_63 = arith.constant 0 : index
      %swap3A_64 = vector.load %arg6[%swap3A_62, %swap3A_63] : memref<1x2000xi32, #tpu.memory_space<vmem>>, vector<1x2000xi32>
      tpu.vector_store %arg6[%swap3A_62, %swap3A_63], %select_n3A_61 {strides = array<i32>} : memref<1x2000xi32, #tpu.memory_space<vmem>>, vector<1x2000xi32>,
    } else {
    }
    return
  }
  func.func @transform_0(%arg0: i32) -> (i32, i32) {
    %c0_i32 = arith.constant 0 : i32
    %c0_i32_0 = arith.constant 0 : i32
    return %arg0, %c0_i32 : i32, i32
  }
  func.func @transform_1(%arg0: i32) -> (i32, i32, i32) {
    %c0_i32 = arith.constant 0 : i32
    %c0_i32_0 = arith.constant 0 : i32
    %c0_i32_1 = arith.constant 0 : i32
    return %arg0, %c0_i32, %c0_i32_0 : i32, i32, i32
  }
  func.func @transform_2(%arg0: i32) -> (i32, i32, i32) {
    %c0_i32 = arith.constant 0 : i32
    %c0_i32_0 = arith.constant 0 : i32
    %c0_i32_1 = arith.constant 0 : i32
    return %arg0, %c0_i32, %c0_i32_0 : i32, i32, i32
  }
  func.func @transform_3(%arg0: i32) -> (i32, i32, i32) {
    %c0_i32 = arith.constant 0 : i32
    %c0_i32_0 = arith.constant 0 : i32
    %c0_i32_1 = arith.constant 0 : i32
    return %arg0, %c0_i32, %c0_i32_0 : i32, i32, i32
  }
  func.func @transform_4(%arg0: i32) -> (i32, i32) {
    %c0_i32 = arith.constant 0 : i32
    %c0_i32_0 = arith.constant 0 : i32
    %c0_i32_1 = arith.constant 0 : i32
    return %c0_i32, %c0_i32_0 : i32, i32
  }
  func.func @transform_5(%arg0: i32) -> (i32, i32) {
    %c0_i32 = arith.constant 0 : i32
    %c0_i32_0 = arith.constant 0 : i32
    %c0_i32_1 = arith.constant 0 : i32
    return %c0_i32, %c0_i32_0 : i32, i32
  }
}

</mosaic_0001>

<sc_bundles>
// kernel: kernel.5.cloned.1.call-start
scs
__scs_entry_jumppad:
0x0: {  	(pc) =	sbr.rel $0x88, $3  }
0x1: {  	(tag) =	ssettag $0x0;
	lr =	simm.s32 $0x1  }
0x2: {  	[smem:$0x3F9C] =	sst lr;
	_ =	strace $0xD0000000  }
0x3: {  	_ = 	snop  }
0x4: {  	_ = 	snop  }
0x5: {  	_ = 	snop  }
0x6: {  	_ = 	snop  }
0x7: {  	_ = 	snop  }
__scs_overlays_trampoline_lowered:
0x8: {  	[smem:$0x3FAB] =	sst s0  }
0x9: {  	[smem:$0x3FAC] =	sst s1  }
0xa: {  	[smem:$0x3FAD] =	sst s2  }
0xb: {  	[smem:$0x3FAE] =	sst s3  }
0xc: {  	[smem:$0x3FAF] =	sst s4  }
0xd: {  	[smem:$0x3FB0] =	sst s5  }
0xe: {  	[smem:$0x3FB1] =	sst s6  }
0xf: {  	[smem:$0x3FB2] =	sst s7  }
0x10: {  	[smem:$0x3FB3] =	sst s8  }
0x11: {  	[smem:$0x3FB4] =	sst s9;
	s0 =	simm.s32 @!p0 $0x0  }
0x12: {  	s1 =	sld [smem:$0x3F9A];
	s0 =	simm.s32 @p0 $0x1  }
0x13: {  	[smem:$0x3FB5] =	sst s0;
	s0 =	simm.s32 @!p1 $0x0  }
0x14: {  	s2 =	sld [smem:$0x3F99];
	s0 =	simm.s32 @p1 $0x1  }
0x15: {  	[smem:$0x3FB6] =	sst s0;
	s0 =	simm.s32 @!p2 $0x0  }
0x16: {  	s3 =	sld [smem:$0x3FDB];
	s0 =	simm.s32 @p2 $0x1  }
0x17: {  	s4 =	simm.s32 $0x1BF5;
	[smem:$0x3FB8] =	sst s0  }
0x18: {  	s0 =	sld [smem:$0x3F9B];
	_ =	swait.ge [sflag:s4], $0x0  }
0x19: {  	s7 =	sld [smem:$0x3F9C]  }
0x1a: {  	s8 =	sadd.s32 $0xFFFFE003, lr  }
0x1b: {  	s9 =	sadd.s32 $0xFFFFFEF7, lr;
	s5 =	simm.s32 $0xFFFFFFFF;
	p2 =	slt.u32 s8, $0xFFFFF086  }
0x1c: {  	p1 =	slt.u32 s9, $0xF7A;
	s5 =	simm.s32 @!p2 $0x0  }
0x1d: {  	s5 =	simm.s32 @p1 $0x1;
	p0 =	seq.s32 s7, s2  }
0x1e: {  	s7 =	smul.u32 @!p0 $0xF7A, s2;
	p2 =	seq.s32 @!p0 s5, $0x0  }
0x1f: {  	s9 =	smul.u32 $0xF7A, s1;
	s8 =	simm.s32 @!p0 $0x1BF5;
	p2 =	por !p2, p0  }
0x20: {  	[sflag:s8] =	ssyncset.s32 @!p0 $0xFFFFF086;
	s6 =	sadd.s32 @!p0 s3, s7;
	s7 =	simm.s32 @!p0 $0x108  }
0x21: {  	s3 =	sadd.s32 s3, s9;
	s6 =	sadd.s32 @!p0 $0x88, s6;
	s7 =	simm.s32 @p2 $0x1082  }
0x22: {  	[simem:s7], [sflag:s8] =	dma.local @!p0 [hbm:s6], $0xF7A  }
0x23: {  	s9 =	sor.u32 $0xD0000000, s2;
	s6 =	simm.s32 $0x108;
	_ =	swait.ge @!p0 [sflag:s8], $0x0  }
0x24: {  	s3 =	sadd.s32 $0x88, s3;
	s6 =	simm.s32 @!p1 $0x1082;
	[sflag:s4] =	ssyncset.s32 $0xFFFFF086  }
0x25: {  	[simem:s6], [sflag:s4] =	dma.local [hbm:s3], $0xF7A  }
0x26: {  	[smem:$0x3F9C] =	sst s1;
	(tag) =	ssettag s2;
	_ =	strace s9  }
0x27: {  	s1 =	sld [smem:$0x3FAC]  }
0x28: {  	s2 =	sld [smem:$0x3FAD]  }
0x29: {  	s4 =	sld [smem:$0x3FAF]  }
0x2a: {  	p0 =	seq.s32 s5, $0x0;
	s5 =	sld [smem:$0x3FB0]  }
0x2b: {  	s6 =	sld [smem:$0x3FB1]  }
0x2c: {  	s7 =	sld [smem:$0x3FB2]  }
0x2d: {  	s3 =	simm.s32 $0x108;
	s8 =	sld [smem:$0x3FB3]  }
0x2e: {  	s3 =	simm.s32 @!p0 $0x1082;
	s9 =	sld [smem:$0x3FB4]  }
0x2f: {  	lr =	sadd.s32 s0, s3;
	s0 =	sld [smem:$0x3FAB]  }
0x30: {  	s3 =	sld [smem:$0x3FAE]  }
0x31: {  	[smem:$0x3FB7] =	sst s10  }
0x32: {  	s10 =	sld [smem:$0x3FB5];
	_ =	sdelay $0x3  }
0x33: {  	p0 =	seq.s32 s10, $0x1;
	s10 =	sld [smem:$0x3FB7];
	_ =	sdelay $0x3  }
0x34: {  	[smem:$0x3FB7] =	sst s10  }
0x35: {  	s10 =	sld [smem:$0x3FB6];
	_ =	sdelay $0x3  }
0x36: {  	p1 =	seq.s32 s10, $0x1;
	s10 =	sld [smem:$0x3FB7];
	_ =	sdelay $0x3  }
0x37: {  	[smem:$0x3FB7] =	sst s10  }
0x38: {  	s10 =	sld [smem:$0x3FB8]  }
0x39: {  	_ = 	snop;
	(pc) =	sbr.ind lr, $3  }
0x3a: {  	_ = 	snop  }
0x3b: {  	_ = 	snop  }
0x3c: {  	p2 =	seq.s32 s10, $0x1;
	s10 =	sld [smem:$0x3FB7]  }
0x3d: {  	_ =	shalt  }
0x3e: {  	_ =	shalt  }
0x3f: {  	_ =	shalt  }
0x40: {  	_ =	shalt  }
0x41: {  	_ =	shalt  }
0x42: {  	_ =	shalt  }
0x43: {  	_ =	shalt  }
0x44: {  	_ =	shalt  }
0x45: {  	_ =	shalt  }
0x46: {  	_ =	shalt  }
0x47: {  	_ =	shalt  }
0x48: {  	_ =	shalt  }
0x49: {  	_ =	shalt  }
0x4a: {  	_ =	shalt  }
0x4b: {  	_ =	shalt  }
0x4c: {  	_ =	shalt  }
0x4d: {  	_ =	shalt  }
0x4e: {  	_ =	shalt  }
0x4f: {  	_ =	shalt  }
0x50: {  	_ =	shalt  }
0x51: {  	_ =	shalt  }
0x52: {  	_ =	shalt  }
0x53: {  	_ =	shalt  }
0x54: {  	_ =	shalt  }
0x55: {  	_ =	shalt  }
0x56: {  	_ =	shalt  }
0x57: {  	_ =	shalt  }
0x58: {  	_ =	shalt  }
0x59: {  	_ =	shalt  }
0x5a: {  	_ =	shalt  }
0x5b: {  	_ =	shalt  }
0x5c: {  	_ =	shalt  }
0x5d: {  	_ =	shalt  }
0x5e: {  	_ =	shalt  }
0x5f: {  	_ =	shalt  }
0x60: {  	_ =	shalt  }
0x61: {  	_ =	shalt  }
0x62: {  	_ =	shalt  }
0x63: {  	_ =	shalt  }
0x64: {  	_ =	shalt  }
0x65: {  	_ =	shalt  }
0x66: {  	_ =	shalt  }
0x67: {  	_ =	shalt  }
0x68: {  	_ =	shalt  }
0x69: {  	_ =	shalt  }
0x6a: {  	_ =	shalt  }
0x6b: {  	_ =	shalt  }
0x6c: {  	_ =	shalt  }
0x6d: {  	_ =	shalt  }
0x6e: {  	_ =	shalt  }
0x6f: {  	_ =	shalt  }
0x70: {  	_ =	shalt  }
0x71: {  	_ =	shalt  }
0x72: {  	_ =	shalt  }
0x73: {  	_ =	shalt  }
0x74: {  	_ =	shalt  }
0x75: {  	_ =	shalt  }
0x76: {  	_ =	shalt  }
0x77: {  	_ =	shalt  }
0x78: {  	_ =	shalt  }
0x79: {  	_ =	shalt  }
0x7a: {  	_ =	shalt  }
0x7b: {  	_ =	shalt  }
0x7c: {  	_ =	shalt  }
0x7d: {  	_ =	shalt  }
0x7e: {  	_ =	shalt  }
0x7f: {  	_ =	shalt  }
0x80: {  	_ =	shalt  }
0x81: {  	_ =	shalt  }
0x82: {  	_ =	shalt  }
0x83: {  	_ =	shalt  }
0x84: {  	_ =	shalt  }
0x85: {  	_ =	shalt  }
0x86: {  	_ =	shalt  }
0x87: {  	_ =	shalt  }
.Lfunc_end0:
.L_simem_size_0:
called_computation_lowered:
.L_overlay_start_0:
0x88: {  	s2 =	sld [smem:$0x3FD9]  }
0x89: {  	s3 =	sld [smem:$0x3FFE];
	_ =	sdelay $0x1  }
0x8a: {  	s1 =	srdreg.scid  }
0x8b: {  	s0 =	sand.u32 $0x1, s1  }
0x8c: {  	s15 =	sshll.u32 s0, $0xA;
	s2 =	sadd.s32 s3, s2  }
0x8d: {  	s2 =	sadd.s32 s2, s15  }
0x8e: {  	[smem:$0x3FC3] =	sst s2  }
0x8f: {  	_ = 	snop  }
0x90: {  	s2 =	sld [smem:$0x3FD0];
	_ =	sdelay $0x2  }
0x91: {  	s4 =	simm.s32 $0xA;
	s5 =	simm.s32 $0x10;
	s16 =	sld [smem:$0x3FC8]  }
0x92: {  	[smem:s5], [sflag:s4] =	dma.local [hbm:s2], $0x1  }
0x93: {  	_ =	swait.eq [sflag:s4], $0x1  }
0x94: {  	s17 =	sld [smem:$0x11];
	[sflag:s4] =	ssyncset.done $0x0  }
0x95: {  	s18 =	sld [smem:$0x12];
	[sflag:s4] =	ssyncadd.s32 $0xFFFFFFFF  }
0x96: {  	s19 =	sld [smem:$0x13];
	(tm) =	ssettm $0x1  }
0x97: {  	s6 =	sld [smem:$0x3FFB];
	_ =	sdelay $0x3  }
0x98: {  	_ =	strace s6  }
0x99: {  	s6 =	sld [smem:$0x3FFC];
	_ =	sdelay $0x3  }
0x9a: {  	_ =	strace s6  }
0x9b: {  	s6 =	sld [smem:$0x3FFD];
	_ =	sdelay $0x3  }
0x9c: {  	_ =	strace s6  }
0x9d: {  	_ =	strace $0x8FFFFFFF  }
0x9e: {  	s20 =	sld [smem:$0x3FDB];
	_ =	sdelay $0x1  }
0x9f: {  	s7 =	simm.s32 $_scs_section_size  }
0xa0: {  	s8 =	simm.s32 $_size__tile_overlayer_lowered;
	s9 =	simm.s32 $_tile_overlayer_lowered  }
0xa1: {  	s23 =	simm.s32 $0x1BFF;
	s22 =	sshll.u32 s9, $0x1;
	s6 =	sadd.s32 s7, s20  }
0xa2: {  	s10 =	simm.s32 $0x0;
	s21 =	sshll.u32 s8, $0x1;
	s8 =	sadd.s32 s22, s6  }
0xa3: {  	[timem:s10], [sflag:s23] =	dma.local [hbm:s8], s21  }
0xa4: {  	_ =	swait.ge [sflag:s23], s21  }
0xa5: {  	s7 =	ssub.s32 $0x0, s21;
	[sflag:s23] =	ssyncset.done $0x0  }
0xa6: {  	[sflag:s23] =	ssyncadd.s32 s7;
	_ =	sdelay $0x1  }
0xa7: {  	s24 =	simm.s32 $0x1B8B  }
0xa8: {  	_ =	swait.ge [sflag:s24], $0x1  }
0xa9: {  	[sflag:s24] =	ssyncset.done $0x0  }
0xaa: {  	s25 =	simm.s32 $0x1B8E;
	[sflag:s24] =	ssyncadd.s32 $0xFFFFFFFF  }
0xab: {  	s26 =	simm.s32 $execute0_lowered;
	[smem:$0x3FD2] =	sst s25  }
0xac: {  	s7 =	sshll.u32 s26, $0x1;
	_ =	strace $0x80000046;
	[dreg:$0x1] =	wrdreg $0xFFFFFFFF  }
0xad: {  	s28 =	simm.s32 $_size_execute0_lowered;
	s6 =	sadd.s32 s6, s7;
	[dreg:$0x0] =	wrdreg $0x0  }
0xae: {  	s7 =	sshll.u32 s28, $0x1;
	[dreg:$0x2] =	wrdreg s6  }
0xaf: {  	[dreg:$0x3] =	wrdreg s7  }
0xb0: {  	[dreg:$0x4] =	wrdreg $0xC0  }
0xb1: {  	_ =	task [dreg:s10], $0x5FFFF  }
0xb2: {  	[dreg:$0x1] =	wrdreg $0xFFFFFFFF  }
0xb3: {  	[dreg:$0x0] =	wrdreg $0x60  }
0xb4: {  	[dreg:$0x2] =	wrdreg s19  }
0xb5: {  	[dreg:$0x3] =	wrdreg s16  }
0xb6: {  	[dreg:$0x4] =	wrdreg s17  }
0xb7: {  	[dreg:$0x5] =	wrdreg s18  }
0xb8: {  	[dreg:$0x6] =	wrdreg $0x9  }
0xb9: {  	_ =	task.clear_ibuf [dreg:s10], $0x7FFFF;
	_ =	strace $0x90000046  }
0xba: {  	s29 =	simm.s32 $0x9;
	_ =	strace $0x80000048  }
0xbb: {  	_ =	swait.ge [sflag:s29], $0x1  }
0xbc: {  	[sflag:s29] =	ssyncadd.s32 $0xFFFFFFFF  }
0xbd: {  	_ =	strace $0x90000048  }
0xbe: {  	_ =	sfence  }
0xbf: {  	s30 =	sld [smem:$0x0];
	_ =	sdelay $0x2  }
0xc0: {  	s31 =	sshll.u32 s1, $0xD;
	s1 =	sshrl.u32 s1, $0x2  }
0xc1: {  	s3 =	sand.u32 $0x4000, s31;
	s1 =	sadd.s32 s1, s30  }
0xc2: {  	s0 =	sor.u32 s3, s0;
	s1 =	sshll.u32 s1, $0x11  }
0xc3: {  	s0 =	sor.u32 s1, s0  }
0xc4: {  	s0 =	sadd.s32 $0x8F2B, s0  }
0xc5: {  	[sflag:s0] =	ssyncadd.remote.s32 $0x1  }
0xc6: {  	_ =	sfence.sel $0xFFFF  }
0xc7: {  	[dreg:$0x0] =	wrdreg $0xFFFFFFFF;
	(pc) =	sbr.abs _section_cstart, $3  }
0xc8: {  	[dreg:$0x1] =	wrdreg $0xFFFFFFFF  }
0xc9: {  	_ =	task.clear_ibuf [dreg:s10], $0x2FFFF;
	_ =	strace $0x9FFFFFFF  }
0xca: {  	(tm) =	ssettm $0x7FFFFFFF  }
0xcb: {  	_ =	shalt  }
tec
execute0_lowered:
.L_overlay_start_1:
0x0: {  	(tag) =	ssettag $0x1  }
0x1: {  	s1 =	rddreg [dreg:$0x0]  }
0x2: {  	s0 =	rddreg [dreg:$0x1]  }
0x3: {  	s2 =	rddreg [dreg:$0x2]  }
0x4: {  	s3 =	srdreg.scid;
	s4 =	stileid.u32;
	s17 =	simm.s32 $0x1  }
0x5: {  	s19 =	simm.s32 $0x7D0;
	s20 =	simm.s32 $0xBB8;
	s21 =	simm.s32 $0xFA0  }
0x6: {  	s22 =	simm.s32 $0x1388;
	s23 =	simm.s32 $0x1770;
	s24 =	simm.s32 $0x1B58  }
0x7: {  	s25 =	simm.s32 $0x1F40;
	s26 =	simm.s32 $0x2328;
	s28 =	simm.s32 $0x2780  }
0x8: {  	s29 =	simm.s32 $0x7680;
	s30 =	simm.s32 $0x0;
	s3 =	sand.u32 $0x1, s3  }
0x9: {  	s4 =	sshll.u32 s4, $0x1;
	s7 =	sadd.s32 $0x180, s1;
	s8 =	sadd.s32 $0x200, s1  }
0xa: {  	s9 =	sadd.s32 $0x280, s1;
	s10 =	sadd.s32 $0x300, s1;
	s11 =	sadd.s32 $0x380, s1  }
0xb: {  	s12 =	sadd.s32 $0x400, s1;
	s18 =	sor.u32 s3, s4;
	s4 =	simm.s32 $0x0  }
0xc: {  	s3 =	ssub.s32 $0x2, s3;
	s5 =	smul.u32 $0x2780, s18;
	[smem:$0x7FF] =	sst s4  }
0xd: {  	s6 =	sshrl.u32 s3, $0x1;
	p0 =	sne.s32 s18, $0x0;
	_ =	strace $0x80000047  }
0xe: {  	s3 =	ssub.s32 s3, s6;
	s6 =	sadd.s32 $0x100, s1;
	s13 =	smin.u32 s5, $0x4BA80  }
0xf: {  	s5 =	sadd.s32 $0x80, s1;
	s16 =	smax.u32 s3, $0x1;
	s15 =	sshrl.u32 s13, $0x2  }
0x10: {  	s13 =	sadd.s32 $0x480, s1;
	s14 =	sadd.s32 s0, s15;
	s15 =	sadd.s32 s2, s15  }
.LBB2_1:
0x11: {  	[tilespmem:s4], [sflag:$0x1] =	stream.linear.gather [hbm4b:s1+s4], $0x3E8, $0x38;
	[tilespmem:$0xC580] =	vst v63  }
0x12: {  	_ =	swait.ge [sflag:s17], $0x3E8  }
0x13: {  	[sflag:s17] =	ssyncset.done $0x0  }
0x14: {  	s0 =	simm.s32 $0x3E8;
	[sflag:s17] =	ssyncadd.s32 $0xFFFFFC18  }
0x15: {  	[tilespmem:s0], [sflag:$0x1] =	stream.linear.gather [hbm4b:s5+s4], $0x3E8, $0x38;
	[tilespmem:$0xC580] =	vst v63  }
0x16: {  	_ =	swait.ge [sflag:s17], $0x3E8  }
0x17: {  	[sflag:s17] =	ssyncset.done $0x0  }
0x18: {  	[sflag:s17] =	ssyncadd.s32 $0xFFFFFC18  }
0x19: {  	[tilespmem:s19], [sflag:$0x1] =	stream.linear.gather [hbm4b:s6+s4], $0x3E8, $0x38;
	[tilespmem:$0xC580] =	vst v63  }
0x1a: {  	_ =	swait.ge [sflag:s17], $0x3E8  }
0x1b: {  	[sflag:s17] =	ssyncset.done $0x0  }
0x1c: {  	[sflag:s17] =	ssyncadd.s32 $0xFFFFFC18  }
0x1d: {  	[tilespmem:s20], [sflag:$0x1] =	stream.linear.gather [hbm4b:s7+s4], $0x3E8, $0x38;
	[tilespmem:$0xC580] =	vst v63  }
0x1e: {  	_ =	swait.ge [sflag:s17], $0x3E8  }
0x1f: {  	[sflag:s17] =	ssyncset.done $0x0  }
0x20: {  	[sflag:s17] =	ssyncadd.s32 $0xFFFFFC18  }
0x21: {  	[tilespmem:s21], [sflag:$0x1] =	stream.linear.gather [hbm4b:s8+s4], $0x3E8, $0x38;
	[tilespmem:$0xC580] =	vst v63  }
0x22: {  	_ =	swait.ge [sflag:s17], $0x3E8  }
0x23: {  	[sflag:s17] =	ssyncset.done $0x0  }
0x24: {  	[sflag:s17] =	ssyncadd.s32 $0xFFFFFC18  }
0x25: {  	[tilespmem:s22], [sflag:$0x1] =	stream.linear.gather [hbm4b:s9+s4], $0x3E8, $0x38;
	[tilespmem:$0xC580] =	vst v63  }
0x26: {  	_ =	swait.ge [sflag:s17], $0x3E8  }
0x27: {  	[sflag:s17] =	ssyncset.done $0x0  }
0x28: {  	[sflag:s17] =	ssyncadd.s32 $0xFFFFFC18  }
0x29: {  	[tilespmem:s23], [sflag:$0x1] =	stream.linear.gather [hbm4b:s10+s4], $0x3E8, $0x38;
	[tilespmem:$0xC580] =	vst v63  }
0x2a: {  	_ =	swait.ge [sflag:s17], $0x3E8  }
0x2b: {  	[sflag:s17] =	ssyncset.done $0x0  }
0x2c: {  	[sflag:s17] =	ssyncadd.s32 $0xFFFFFC18  }
0x2d: {  	[tilespmem:s24], [sflag:$0x1] =	stream.linear.gather [hbm4b:s11+s4], $0x3E8, $0x38;
	[tilespmem:$0xC580] =	vst v63  }
0x2e: {  	_ =	swait.ge [sflag:s17], $0x3E8  }
0x2f: {  	[sflag:s17] =	ssyncset.done $0x0  }
0x30: {  	[sflag:s17] =	ssyncadd.s32 $0xFFFFFC18  }
0x31: {  	[tilespmem:s25], [sflag:$0x1] =	stream.linear.gather [hbm4b:s12+s4], $0x3E8, $0x38;
	[tilespmem:$0xC580] =	vst v63  }
0x32: {  	_ =	swait.ge [sflag:s17], $0x3E8  }
0x33: {  	[sflag:s17] =	ssyncset.done $0x0  }
0x34: {  	[sflag:s17] =	ssyncadd.s32 $0xFFFFFC18  }
0x35: {  	[tilespmem:s26], [sflag:$0x1] =	stream.linear.gather [hbm4b:s13+s4], $0x3E8, $0x38;
	[tilespmem:$0xC580] =	vst v63  }
0x36: {  	_ =	swait.ge [sflag:s17], $0x3E8  }
0x37: {  	[sflag:s17] =	ssyncset.done $0x0  }
0x38: {  	[sflag:s17] =	ssyncadd.s32 $0xFFFFFC18  }
0x39: {  	[tilespmem:s28], [sflag:$0x1] =	stream.linear.gather [hbm4b:s14+s4], $0x4F00, $0x38;
	[tilespmem:$0xC580] =	vst v63  }
0x3a: {  	_ =	swait.ge [sflag:s17], $0x4F00  }
0x3b: {  	[sflag:s17] =	ssyncset.done $0x0  }
0x3c: {  	s18 =	simm.s32 $0x27C0;
	[sflag:s17] =	ssyncadd.s32 $0xFFFFB100  }
0x3d: {  	v0 =	vld [tilespmem:s18+$0x30]  }
0x3e: {  	v1 =	vld [tilespmem:s18+$0xFFFFFFD0]  }
0x3f: {  	v2 =	vld [tilespmem:s18+$0xFFFFFFE0]  }
0x40: {  	v3 =	vld [tilespmem:s18+$0xFFFFFFF0]  }
0x41: {  	v5 =	vld [tilespmem:s18+$0x0]  }
0x42: {  	v6 =	vld [tilespmem:s18+$0x10]  }
0x43: {  	v7 =	vld [tilespmem:s18+$0x20]  }
0x44: {  	v8 =	vld [tilespmem:s18+$0xFFFFFFC0]  }
0x45: {  	v9 =	vld.idx.msk [tilespmem:v0+s4+$0x0], $0xffff  }
0x46: {  	v10 =	vld.idx.msk [tilespmem:v1+s4+$0x0], $0xffff  }
0x47: {  	v4 =	vld.idx.msk [tilespmem:v2+s4+$0x0], $0xffff  }
0x48: {  	v2 =	vld.idx.msk [tilespmem:v3+s4+$0x0], $0xffff  }
0x49: {  	v0 =	vld.idx.msk [tilespmem:v5+s4+$0x0], $0xffff  }
0x4a: {  	s0 =	simm.s32 $0x76C0;
	v1 =	vld.idx.msk [tilespmem:v6+s4+$0x0], $0xffff  }
0x4b: {  	s3 =	simm.s32 $0x0;
	v3 =	vld.idx.msk [tilespmem:v7+s4+$0x0], $0xffff;
	[tilespmem:s0+$0x30] =	vst v9  }
0x4c: {  	s31 =	simm.s32 $0x7770;
	s2 =	simm.s32 $0x2870;
	s18 =	simm.s32 $0x28C0;
	v5 =	vld.idx.msk [tilespmem:v8+s4+$0x0], $0xffff;
	[tilespmem:s0+$0xFFFFFFD0] =	vst v10  }
.LBB2_2:
0x4d: {  	v6 =	vld [tilespmem:s18+$0x30];
	s3 =	sadd.s32 $0x8, s3;
	[tilespmem:s0+$0xFFFFFFE0] =	vst v4  }
0x4e: {  	v4 =	vld [tilespmem:s18+$0xFFFFFFD0];
	p1 =	slt.u32 s3, $0x270;
	[tilespmem:s0+$0xFFFFFFF0] =	vst v2  }
0x4f: {  	v2 =	vld [tilespmem:s18+$0xFFFFFFE0];
	[tilespmem:s0+$0x0] =	vst v0  }
0x50: {  	v0 =	vld [tilespmem:s18+$0xFFFFFFF0];
	[tilespmem:s0+$0x10] =	vst v1  }
0x51: {  	v1 =	vld [tilespmem:s18+$0x0];
	[tilespmem:s0+$0x20] =	vst v3  }
0x52: {  	v3 =	vld [tilespmem:s18+$0x10];
	[tilespmem:s0+$0xFFFFFFC0] =	vst v5  }
0x53: {  	v5 =	vld [tilespmem:s18+$0x20]  }
0x54: {  	v7 =	vld [tilespmem:s18+$0xFFFFFFC0]  }
0x55: {  	v6 =	vld.idx.msk [tilespmem:v6+s4+$0x0], $0xffff  }
0x56: {  	v8 =	vld.idx.msk [tilespmem:v4+s4+$0x0], $0xffff  }
0x57: {  	v4 =	vld.idx.msk [tilespmem:v2+s4+$0x0], $0xffff  }
.Ltmp0:
0x58: {  	v2 =	vld.idx.msk [tilespmem:v0+s4+$0x0], $0xffff;
	(pc) =	sbr.rel @p1 .LBB2_2-.Ltmp0, $4  }
0x59: {  	v0 =	vld.idx.msk [tilespmem:v1+s4+$0x0], $0xffff  }
0x5a: {  	s0 =	sadd.s32 $0x100, s0;
	v1 =	vld.idx.msk [tilespmem:v3+s4+$0x0], $0xffff  }
0x5b: {  	v3 =	vld.idx.msk [tilespmem:v5+s4+$0x0], $0xffff;
	[tilespmem:s0+$0x30] =	vst v6  }
0x5c: {  	s18 =	sadd.s32 $0x100, s18;
	v5 =	vld.idx.msk [tilespmem:v7+s4+$0x0], $0xffff;
	[tilespmem:s0+$0xFFFFFFD0] =	vst v8  }
0x5d: {  	[tilespmem:s0+$0xFFFFFFE0] =	vst v4  }
0x5e: {  	[tilespmem:s0+$0xFFFFFFF0] =	vst v2  }
0x5f: {  	[tilespmem:s0+$0x0] =	vst v0  }
0x60: {  	[tilespmem:s0+$0x10] =	vst v1  }
0x61: {  	[tilespmem:s0+$0x20] =	vst v3  }
0x62: {  	[tilespmem:s0+$0xFFFFFFC0] =	vst v5  }
0x63: {  	v0 =	vld [tilespmem:s2+$0x0]  }
0x64: {  	v1 =	vld [tilespmem:s2+$0xFFFFFFA0]  }
0x65: {  	v2 =	vld [tilespmem:s2+$0xFFFFFFB0]  }
0x66: {  	v3 =	vld [tilespmem:s2+$0xFFFFFFC0]  }
0x67: {  	v4 =	vld [tilespmem:s2+$0xFFFFFFD0]  }
0x68: {  	v6 =	vld [tilespmem:s2+$0xFFFFFFE0]  }
0x69: {  	v7 =	vld [tilespmem:s2+$0xFFFFFFF0]  }
0x6a: {  	v8 =	vld [tilespmem:s2+$0xFFFFFF90]  }
0x6b: {  	v9 =	vld.idx.msk [tilespmem:v0+s4+$0x0], $0xffff  }
0x6c: {  	v10 =	vld.idx.msk [tilespmem:v1+s4+$0x0], $0xffff  }
0x6d: {  	v5 =	vld.idx.msk [tilespmem:v2+s4+$0x0], $0xffff  }
0x6e: {  	v3 =	vld.idx.msk [tilespmem:v3+s4+$0x0], $0xffff  }
0x6f: {  	v2 =	vld.idx.msk [tilespmem:v4+s4+$0x0], $0xffff  }
0x70: {  	v0 =	vld.idx.msk [tilespmem:v6+s4+$0x0], $0xffff  }
0x71: {  	v1 =	vld.idx.msk [tilespmem:v7+s4+$0x0], $0xffff;
	[tilespmem:s31+$0x0] =	vst v9  }
0x72: {  	s0 =	simm.s32 $0x0;
	s2 =	simm.s32 $0x2970;
	v4 =	vld.idx.msk [tilespmem:v8+s4+$0x0], $0xffff;
	[tilespmem:s31+$0xFFFFFFA0] =	vst v10  }
.LBB2_4:
0x73: {  	v6 =	vld [tilespmem:s2+$0x0];
	s0 =	sadd.s32 $0x8, s0;
	[tilespmem:s31+$0xFFFFFFB0] =	vst v5  }
0x74: {  	v5 =	vld [tilespmem:s2+$0xFFFFFFA0];
	p1 =	slt.u32 s0, $0x270;
	[tilespmem:s31+$0xFFFFFFC0] =	vst v3  }
0x75: {  	v3 =	vld [tilespmem:s2+$0xFFFFFFB0];
	[tilespmem:s31+$0xFFFFFFD0] =	vst v2  }
0x76: {  	v2 =	vld [tilespmem:s2+$0xFFFFFFC0];
	[tilespmem:s31+$0xFFFFFFE0] =	vst v0  }
0x77: {  	v0 =	vld [tilespmem:s2+$0xFFFFFFD0];
	[tilespmem:s31+$0xFFFFFFF0] =	vst v1  }
0x78: {  	v1 =	vld [tilespmem:s2+$0xFFFFFFE0];
	[tilespmem:s31+$0xFFFFFF90] =	vst v4  }
0x79: {  	v4 =	vld [tilespmem:s2+$0xFFFFFFF0]  }
0x7a: {  	v7 =	vld [tilespmem:s2+$0xFFFFFF90]  }
0x7b: {  	v6 =	vld.idx.msk [tilespmem:v6+s4+$0x0], $0xffff  }
0x7c: {  	v8 =	vld.idx.msk [tilespmem:v5+s4+$0x0], $0xffff  }
0x7d: {  	v5 =	vld.idx.msk [tilespmem:v3+s4+$0x0], $0xffff  }
.Ltmp1:
0x7e: {  	v3 =	vld.idx.msk [tilespmem:v2+s4+$0x0], $0xffff;
	(pc) =	sbr.rel @p1 .LBB2_4-.Ltmp1, $4  }
0x7f: {  	v2 =	vld.idx.msk [tilespmem:v0+s4+$0x0], $0xffff  }
0x80: {  	s31 =	sadd.s32 $0x100, s31;
	v0 =	vld.idx.msk [tilespmem:v1+s4+$0x0], $0xffff  }
0x81: {  	v1 =	vld.idx.msk [tilespmem:v4+s4+$0x0], $0xffff;
	[tilespmem:s31+$0x0] =	vst v6  }
0x82: {  	s2 =	sadd.s32 $0x100, s2;
	v4 =	vld.idx.msk [tilespmem:v7+s4+$0x0], $0xffff;
	[tilespmem:s31+$0xFFFFFFA0] =	vst v8  }
0x83: {  	[tilespmem:s31+$0xFFFFFFB0] =	vst v5  }
0x84: {  	[tilespmem:s31+$0xFFFFFFC0] =	vst v3  }
0x85: {  	[tilespmem:s31+$0xFFFFFFD0] =	vst v2  }
0x86: {  	[tilespmem:s31+$0xFFFFFFE0] =	vst v0  }
0x87: {  	[tilespmem:s31+$0xFFFFFFF0] =	vst v1  }
0x88: {  	[tilespmem:s31+$0xFFFFFF90] =	vst v4  }
0x89: {  	[hbm4b:s15+s4] =	stream.linear.scatter [tilespmem:s29], [sflag:$0x1], $0x4F00, $0x38;
	[tilespmem:$0xC580] =	vst v63  }
0x8a: {  	_ =	swait.ge [sflag:s17], $0x4F00  }
0x8b: {  	[sflag:s17] =	ssyncset.done $0x0  }
0x8c: {  	s30 =	sadd.s32 $0x1, s30;
	[sflag:s17] =	ssyncadd.s32 $0xFFFFB100  }
0x8d: {  	s0 =	simm.s32 @!p0 $0x0;
	p1 =	sne.s32 s30, s16;
	s2 =	rddreg [dreg:$0x3]  }
0x8e: {  	[hbm4b:s2+s0] =	stream.linear.scatter @!p0 [tilespmem:s0], [sflag:$0x1], $0x2780, $0x38;
	[tilespmem:$0xC580] =	vst v63  }
.Ltmp2:
0x8f: {  	_ = 	snop;
	(pc) =	sbr.rel @p1 .LBB2_1-.Ltmp2, $4  }
0x90: {  	s0 =	simm.s32 @!p0 $0x1  }
0x91: {  	_ =	swait.ge @!p0 [sflag:s0], $0x2780  }
0x92: {  	[sflag:s0] =	ssyncset.done @!p0 $0x0  }
0x93: {  	[sflag:s0] =	ssyncadd.s32 @!p0 $0xFFFFD880  }
0x94: {  	_ =	sfence.sel $0x180000  }
0x95: {  	[bflag:$0x0] =	sbarrier.arrive $0xFFFF  }
0x96: {  	_ =	strace $0x90000047  }
0x97: {  	s0 =	stileid.u32;
	[bflag:$0x2] =	sbarrier.arrive $0xFFFF  }
0x98: {  	p0 =	sne.s32 s0, $0x0;
	s0 =	rddreg [dreg:$0x4]  }
0x99: {  	s0 =	sadd.s32 @!p0 $0x100000, s0  }
0x9a: {  	[sflag:s0] =	ssyncadd.tile.s32 @!p0 $0x1;
	_ =	shalt  }
.Lfunc_end2:
_tile_overlayer_lowered:
.L_overlay_start_2:
0x9b: {  	(tag) =	ssettag $0x2  }
0x9c: {  	s0 =	rddreg [dreg:$0x0];
	s2 =	stileid.u32  }
0x9d: {  	s1 =	rddreg [dreg:$0x1];
	p0 =	sne.s32 s2, $0x0  }
0x9e: {  	s3 =	rddreg [dreg:$0x2];
	[bflag:$0x3] =	sbarrier.arrive $0xFFFF;
	s2 =	simm.s32 @!p0 $0x1C01  }
0x9f: {  	[timem:s3], [sflag:s2] =	dma.local @!p0 [hbm:s0], s1  }
0xa0: {  	s0 =	simm.s32 @!p0 $0x1  }
0xa1: {  	_ =	swait.ge @!p0 [sflag:s0], s1  }
0xa2: {  	s1 =	ssub.s32 @!p0 $0x0, s1;
	[sflag:s0] =	ssyncset.done @!p0 $0x0  }
0xa3: {  	[sflag:s0] =	ssyncadd.s32 @!p0 s1  }
0xa4: {  	[bflag:$0x3] =	sbarrier.arrive $0xFFFF  }
0xa5: {  	_ =	shalt  }

</sc_bundles>
